<compile_context>
chip_gen: v7x
topology: tpu7x:2x2x1
jax: 0.10.2.dev20260603
libtpu: 0.0.44.dev20260713+nightly
codegen_flags: <defaults>
</compile_context>

<pallas_src>
import functools

import jax
import jax.numpy as jnp
from jax import lax
from jax.experimental import pallas as pl
from jax.experimental.pallas import tpu as pltpu
from jax.experimental.pallas import tpu_sc as plsc

_BATCH = 4
_SEQ = 2048
_D = 1024
_SCALE = float(_D) ** 0.5

_NC = 2
_NS = 16
_ROWS = _BATCH * _SEQ
_WIN = _SEQ // (_NC * _NS)
_C = 16
_CH = _C * _D
_NP = _WIN // _C
_NIDX = _NP * _BATCH
_UNROLL = 8
_VECS = _CH // 16


def _sc_body(seq_hbm, pe_hbm, out_hbm,
             p0, p1, a0, a1, o0, o1,
             sp0, sp1, sa0, sa1, so0, so1):
    c = lax.axis_index("c")
    s = lax.axis_index("s")
    pbufs = (p0, p1)
    abufs = (a0, a1)
    obufs = (o0, o1)
    sems_p = (sp0, sp1)
    sems_a = (sa0, sa1)
    sems_o = (so0, so1)

    win_row = c * (_SEQ // _NC) + s * _WIN
    pe_base = win_row * _D

    def seq_off(idx):
        p, b = idx // _BATCH, idx % _BATCH
        return (b * _SEQ + win_row + p * _C) * _D

    def pe_copy(p):
        return pltpu.make_async_copy(
            pe_hbm.at[pl.ds(pe_base + p * _CH, _CH)], pbufs[p % 2],
            sems_p[p % 2],
        )

    def seq_copy(idx):
        return pltpu.make_async_copy(
            seq_hbm.at[pl.ds(seq_off(idx), _CH)], abufs[idx % 2],
            sems_a[idx % 2],
        )

    def out_copy(idx):
        return pltpu.make_async_copy(
            abufs[idx % 2], out_hbm.at[pl.ds(seq_off(idx), _CH)],
            sems_o[idx % 2],
        )

    pe_copy(0).start()
    pe_copy(1).start()
    seq_copy(0).start()
    seq_copy(1).start()

    for p in range(_NP):
        pe_copy(p).wait()
        for b in range(_BATCH):
            idx = p * _BATCH + b
            seq_copy(idx).wait()
            if idx >= 2:
                out_copy(idx - 2).wait()

            pbuf, abuf, obuf = pbufs[p % 2], abufs[idx % 2], obufs[idx % 2]

            out_copy(idx).start()
            if idx + 2 < _NIDX:
                seq_copy(idx + 2).start()
        if p + 2 < _NP:
            pe_copy(p + 2).start()

    out_copy(_NIDX - 2).wait()
    out_copy(_NIDX - 1).wait()


@jax.jit
def _run(seq1d, pe1d):
    mesh = plsc.VectorSubcoreMesh(core_axis_name="c", subcore_axis_name="s")
    return pl.kernel(
        _sc_body,
        mesh=mesh,
        out_type=jax.ShapeDtypeStruct((_ROWS * _D,), jnp.float32),
        scratch_types=[
            pltpu.VMEM((_CH,), jnp.float32),
            pltpu.VMEM((_CH,), jnp.float32),
            pltpu.VMEM((_CH,), jnp.float32),
            pltpu.VMEM((_CH,), jnp.float32),
            pltpu.VMEM((_CH,), jnp.float32),
            pltpu.VMEM((_CH,), jnp.float32),
            pltpu.SemaphoreType.DMA,
            pltpu.SemaphoreType.DMA,
            pltpu.SemaphoreType.DMA,
            pltpu.SemaphoreType.DMA,
            pltpu.SemaphoreType.DMA,
            pltpu.SemaphoreType.DMA,
        ],
    )(seq1d, pe1d)


def kernel(sequence, pe, training, mask):
    del training, mask
    out = _run(sequence.reshape(-1), pe.reshape(-1))
    return out.reshape(_BATCH, _SEQ, _D)

# --- scband reference (transcript-rebuilt; emitter-appended) ---
"""Pipeline reference for scband-pre-processing-layer-38792144617906 (READ-ONLY COPY).

The authoritative reference and input builder live on the scoring server;
editing this copy changes nothing except your own understanding.
"""

import jax, jax.numpy as jnp
import numpy as np

NUM_NEURONS = 1024
VOCAB_SIZE = 8192
BATCH = 4
SEQ_LEN = 2048


def _positional_encoding(position, d):
    # Faithful port of PositionalEncoding: angle_rads then sin/cos of the SAME
    # even-indexed slice (as written in the original code), concatenated.
    pos = jnp.arange(position, dtype=jnp.float32)[:, None]
    i = jnp.arange(d, dtype=jnp.float32)[None, :]
    angle_rates = 1.0 / jnp.power(jnp.float32(10000.0), (2.0 * jnp.floor(i / 2.0)) / jnp.float32(d))
    angle_rads = pos * angle_rates
    sines = jnp.sin(angle_rads[:, 0::2])
    cosines = jnp.cos(angle_rads[:, 0::2])
    enc = jnp.concatenate([sines, cosines], axis=-1)
    return enc[None, ...].astype(jnp.float32)  # [1, position, d]


def setup_inputs(seed: int = 0) -> dict:
    key = jax.random.key(seed)
    k_seq = jax.random.fold_in(key, 1)
    sequence = jax.random.normal(k_seq, (BATCH, SEQ_LEN, NUM_NEURONS), dtype=jnp.float32)
    pe = _positional_encoding(VOCAB_SIZE, NUM_NEURONS)  # buffer built in __init__
    training = False
    mask = jnp.zeros((BATCH, SEQ_LEN), dtype=jnp.float32)  # unused by call()
    return {"sequence": sequence, "pe": pe, "training": training, "mask": mask}


def reference(sequence, pe, training, mask):
    # PreProcessingLayer.call: scale by sqrt(d), add positional encoding slice,
    # dropout (rate 0.1) -- identity at inference (training=False).
    seq_len = sequence.shape[1]
    out = sequence * jnp.sqrt(jnp.float32(NUM_NEURONS))
    out = out + pe[:, :seq_len, :]
    # dropout with training=False is a no-op
    return out

if __name__ == "__main__":
    import jax
    _d = setup_inputs()
    print(jax.jit(kernel)(*tuple(_d.values())))

</pallas_src>

<mosaic_0001>
#map = affine_map<(d0, d1) -> (0)>
module attributes {stable_mosaic.version = 14 : i64} {
  func.func @_sc_body(%arg0: i32, %arg1: i32, %arg2: memref<8388608xf32, #tpu.memory_space<hbm>>, %arg3: memref<8388608xf32, #tpu.memory_space<hbm>>, %arg4: memref<8388608xf32, #tpu.memory_space<hbm>>, %arg5: memref<16384xf32, #tpu.memory_space<vmem>>, %arg6: memref<16384xf32, #tpu.memory_space<vmem>>, %arg7: memref<16384xf32, #tpu.memory_space<vmem>>, %arg8: memref<16384xf32, #tpu.memory_space<vmem>>, %arg9: memref<16384xf32, #tpu.memory_space<vmem>>, %arg10: memref<16384xf32, #tpu.memory_space<vmem>>, %arg11: memref<!tpu.dma_semaphore, #tpu.memory_space<semaphore_mem>>, %arg12: memref<!tpu.dma_semaphore, #tpu.memory_space<semaphore_mem>>, %arg13: memref<!tpu.dma_semaphore, #tpu.memory_space<semaphore_mem>>, %arg14: memref<!tpu.dma_semaphore, #tpu.memory_space<semaphore_mem>>, %arg15: memref<!tpu.dma_semaphore, #tpu.memory_space<semaphore_mem>>, %arg16: memref<!tpu.dma_semaphore, #tpu.memory_space<semaphore_mem>>) attributes {dimension_semantics = [#tpu.dimension_semantics<core_parallel>, #tpu.dimension_semantics<subcore_parallel>], iteration_bounds = array<i64: 2, 16>, scalar_prefetch = 0 : i64, scratch_operands = 12 : i64, tpu.core_type = #tpu.core_type<sc_vector_subcore>, window_params = [{transform_indices = #map}, {transform_indices = #map}, {transform_indices = #map}]} {
    %mul3A = arith.constant 1024 : i32
    %mul3A_0 = arith.muli %arg0, %mul3A : i32
    %mul3A_1 = arith.constant 64 : i32
    %mul3A_2 = arith.muli %arg1, %mul3A_1 : i32
    %add3A = arith.addi %mul3A_0, %mul3A_2 : i32
    %mul3A_3 = arith.constant 1024 : i32
    %mul3A_4 = arith.muli %add3A, %mul3A_3 : i32
    %add3A_5 = arith.constant 0 : i32
    %add3A_6 = arith.addi %mul3A_4, %add3A_5 : i32
    %dma_start3A = tpu.memref_slice %arg3[%add3A_6] : memref<8388608xf32, #tpu.memory_space<hbm>> -> memref<16384xf32, #tpu.memory_space<hbm>>
    %dma_start3A_7 = tpu.memref_slice %arg3[%add3A_6] : memref<8388608xf32, #tpu.memory_space<hbm>> -> memref<16384xf32, #tpu.memory_space<hbm>>
    tpu.enqueue_dma source(%dma_start3A_7 : memref<16384xf32, #tpu.memory_space<hbm>>) target(%arg5 : memref<16384xf32, #tpu.memory_space<vmem>>) target_semaphore(%arg11 : memref<!tpu.dma_semaphore, #tpu.memory_space<semaphore_mem>>)
    %add3A_8 = arith.constant 16384 : i32
    %add3A_9 = arith.addi %mul3A_4, %add3A_8 : i32
    %dma_start3A_10 = tpu.memref_slice %arg3[%add3A_9] : memref<8388608xf32, #tpu.memory_space<hbm>> -> memref<16384xf32, #tpu.memory_space<hbm>>
    %dma_start3A_11 = tpu.memref_slice %arg3[%add3A_9] : memref<8388608xf32, #tpu.memory_space<hbm>> -> memref<16384xf32, #tpu.memory_space<hbm>>
    tpu.enqueue_dma source(%dma_start3A_11 : memref<16384xf32, #tpu.memory_space<hbm>>) target(%arg6 : memref<16384xf32, #tpu.memory_space<vmem>>) target_semaphore(%arg12 : memref<!tpu.dma_semaphore, #tpu.memory_space<semaphore_mem>>)
    %add3A_12 = arith.constant 0 : i32
    %add3A_13 = arith.addi %add3A_12, %add3A : i32
    %add3A_14 = arith.constant 0 : i32
    %add3A_15 = arith.addi %add3A_13, %add3A_14 : i32
    %mul3A_16 = arith.constant 1024 : i32
    %mul3A_17 = arith.muli %add3A_15, %mul3A_16 : i32
    %dma_start3A_18 = tpu.memref_slice %arg2[%mul3A_17] : memref<8388608xf32, #tpu.memory_space<hbm>> -> memref<16384xf32, #tpu.memory_space<hbm>>
    %dma_start3A_19 = tpu.memref_slice %arg2[%mul3A_17] : memref<8388608xf32, #tpu.memory_space<hbm>> -> memref<16384xf32, #tpu.memory_space<hbm>>
    tpu.enqueue_dma source(%dma_start3A_19 : memref<16384xf32, #tpu.memory_space<hbm>>) target(%arg7 : memref<16384xf32, #tpu.memory_space<vmem>>) target_semaphore(%arg13 : memref<!tpu.dma_semaphore, #tpu.memory_space<semaphore_mem>>)
    %add3A_20 = arith.constant 2048 : i32
    %add3A_21 = arith.addi %add3A_20, %add3A : i32
    %add3A_22 = arith.constant 0 : i32
    %add3A_23 = arith.addi %add3A_21, %add3A_22 : i32
    %mul3A_24 = arith.constant 1024 : i32
    %mul3A_25 = arith.muli %add3A_23, %mul3A_24 : i32
    %dma_start3A_26 = tpu.memref_slice %arg2[%mul3A_25] : memref<8388608xf32, #tpu.memory_space<hbm>> -> memref<16384xf32, #tpu.memory_space<hbm>>
    %dma_start3A_27 = tpu.memref_slice %arg2[%mul3A_25] : memref<8388608xf32, #tpu.memory_space<hbm>> -> memref<16384xf32, #tpu.memory_space<hbm>>
    tpu.enqueue_dma source(%dma_start3A_27 : memref<16384xf32, #tpu.memory_space<hbm>>) target(%arg8 : memref<16384xf32, #tpu.memory_space<vmem>>) target_semaphore(%arg14 : memref<!tpu.dma_semaphore, #tpu.memory_space<semaphore_mem>>)
    %add3A_28 = arith.constant 0 : i32
    %add3A_29 = arith.addi %mul3A_4, %add3A_28 : i32
    %dma_wait3A = tpu.memref_slice %arg3[%add3A_29] : memref<8388608xf32, #tpu.memory_space<hbm>> -> memref<16384xf32, #tpu.memory_space<hbm>>
    %dma_wait3A_30 = tpu.memref_slice %arg3[%add3A_29] : memref<8388608xf32, #tpu.memory_space<hbm>> -> memref<16384xf32, #tpu.memory_space<hbm>>
    tpu.wait_dma2 semaphore(%arg11 : memref<!tpu.dma_semaphore, #tpu.memory_space<semaphore_mem>>) src(%dma_wait3A_30 : memref<16384xf32, #tpu.memory_space<hbm>>) dst(%arg5 : memref<16384xf32, #tpu.memory_space<vmem>>)
    %add3A_31 = arith.constant 0 : i32
    %add3A_32 = arith.addi %add3A_31, %add3A : i32
    %add3A_33 = arith.constant 0 : i32
    %add3A_34 = arith.addi %add3A_32, %add3A_33 : i32
    %mul3A_35 = arith.constant 1024 : i32
    %mul3A_36 = arith.muli %add3A_34, %mul3A_35 : i32
    %dma_wait3A_37 = tpu.memref_slice %arg2[%mul3A_36] : memref<8388608xf32, #tpu.memory_space<hbm>> -> memref<16384xf32, #tpu.memory_space<hbm>>
    %dma_wait3A_38 = tpu.memref_slice %arg2[%mul3A_36] : memref<8388608xf32, #tpu.memory_space<hbm>> -> memref<16384xf32, #tpu.memory_space<hbm>>
    tpu.wait_dma2 semaphore(%arg13 : memref<!tpu.dma_semaphore, #tpu.memory_space<semaphore_mem>>) src(%dma_wait3A_38 : memref<16384xf32, #tpu.memory_space<hbm>>) dst(%arg7 : memref<16384xf32, #tpu.memory_space<vmem>>)
    %add3A_39 = arith.constant 0 : i32
    %add3A_40 = arith.addi %add3A_39, %add3A : i32
    %add3A_41 = arith.constant 0 : i32
    %add3A_42 = arith.addi %add3A_40, %add3A_41 : i32
    %mul3A_43 = arith.constant 1024 : i32
    %mul3A_44 = arith.muli %add3A_42, %mul3A_43 : i32
    %dma_start3A_45 = tpu.memref_slice %arg4[%mul3A_44] : memref<8388608xf32, #tpu.memory_space<hbm>> -> memref<16384xf32, #tpu.memory_space<hbm>>
    %dma_start3A_46 = tpu.memref_slice %arg4[%mul3A_44] : memref<8388608xf32, #tpu.memory_space<hbm>> -> memref<16384xf32, #tpu.memory_space<hbm>>
    tpu.enqueue_dma source(%arg7 : memref<16384xf32, #tpu.memory_space<vmem>>) target(%dma_start3A_46 : memref<16384xf32, #tpu.memory_space<hbm>>) target_semaphore(%arg15 : memref<!tpu.dma_semaphore, #tpu.memory_space<semaphore_mem>>)
    %add3A_47 = arith.constant 4096 : i32
    %add3A_48 = arith.addi %add3A_47, %add3A : i32
    %add3A_49 = arith.constant 0 : i32
    %add3A_50 = arith.addi %add3A_48, %add3A_49 : i32
    %mul3A_51 = arith.constant 1024 : i32
    %mul3A_52 = arith.muli %add3A_50, %mul3A_51 : i32
    %dma_start3A_53 = tpu.memref_slice %arg2[%mul3A_52] : memref<8388608xf32, #tpu.memory_space<hbm>> -> memref<16384xf32, #tpu.memory_space<hbm>>
    %dma_start3A_54 = tpu.memref_slice %arg2[%mul3A_52] : memref<8388608xf32, #tpu.memory_space<hbm>> -> memref<16384xf32, #tpu.memory_space<hbm>>
    tpu.enqueue_dma source(%dma_start3A_54 : memref<16384xf32, #tpu.memory_space<hbm>>) target(%arg7 : memref<16384xf32, #tpu.memory_space<vmem>>) target_semaphore(%arg13 : memref<!tpu.dma_semaphore, #tpu.memory_space<semaphore_mem>>)
    %add3A_55 = arith.constant 2048 : i32
    %add3A_56 = arith.addi %add3A_55, %add3A : i32
    %add3A_57 = arith.constant 0 : i32
    %add3A_58 = arith.addi %add3A_56, %add3A_57 : i32
    %mul3A_59 = arith.constant 1024 : i32
    %mul3A_60 = arith.muli %add3A_58, %mul3A_59 : i32
    %dma_wait3A_61 = tpu.memref_slice %arg2[%mul3A_60] : memref<8388608xf32, #tpu.memory_space<hbm>> -> memref<16384xf32, #tpu.memory_space<hbm>>
    %dma_wait3A_62 = tpu.memref_slice %arg2[%mul3A_60] : memref<8388608xf32, #tpu.memory_space<hbm>> -> memref<16384xf32, #tpu.memory_space<hbm>>
    tpu.wait_dma2 semaphore(%arg14 : memref<!tpu.dma_semaphore, #tpu.memory_space<semaphore_mem>>) src(%dma_wait3A_62 : memref<16384xf32, #tpu.memory_space<hbm>>) dst(%arg8 : memref<16384xf32, #tpu.memory_space<vmem>>)
    %add3A_63 = arith.constant 2048 : i32
    %add3A_64 = arith.addi %add3A_63, %add3A : i32
    %add3A_65 = arith.constant 0 : i32
    %add3A_66 = arith.addi %add3A_64, %add3A_65 : i32
    %mul3A_67 = arith.constant 1024 : i32
    %mul3A_68 = arith.muli %add3A_66, %mul3A_67 : i32
    %dma_start3A_69 = tpu.memref_slice %arg4[%mul3A_68] : memref<8388608xf32, #tpu.memory_space<hbm>> -> memref<16384xf32, #tpu.memory_space<hbm>>
    %dma_start3A_70 = tpu.memref_slice %arg4[%mul3A_68] : memref<8388608xf32, #tpu.memory_space<hbm>> -> memref<16384xf32, #tpu.memory_space<hbm>>
    tpu.enqueue_dma source(%arg8 : memref<16384xf32, #tpu.memory_space<vmem>>) target(%dma_start3A_70 : memref<16384xf32, #tpu.memory_space<hbm>>) target_semaphore(%arg16 : memref<!tpu.dma_semaphore, #tpu.memory_space<semaphore_mem>>)
    %add3A_71 = arith.constant 6144 : i32
    %add3A_72 = arith.addi %add3A_71, %add3A : i32
    %add3A_73 = arith.constant 0 : i32
    %add3A_74 = arith.addi %add3A_72, %add3A_73 : i32
    %mul3A_75 = arith.constant 1024 : i32
    %mul3A_76 = arith.muli %add3A_74, %mul3A_75 : i32
    %dma_start3A_77 = tpu.memref_slice %arg2[%mul3A_76] : memref<8388608xf32, #tpu.memory_space<hbm>> -> memref<16384xf32, #tpu.memory_space<hbm>>
    %dma_start3A_78 = tpu.memref_slice %arg2[%mul3A_76] : memref<8388608xf32, #tpu.memory_space<hbm>> -> memref<16384xf32, #tpu.memory_space<hbm>>
    tpu.enqueue_dma source(%dma_start3A_78 : memref<16384xf32, #tpu.memory_space<hbm>>) target(%arg8 : memref<16384xf32, #tpu.memory_space<vmem>>) target_semaphore(%arg14 : memref<!tpu.dma_semaphore, #tpu.memory_space<semaphore_mem>>)
    %add3A_79 = arith.constant 4096 : i32
    %add3A_80 = arith.addi %add3A_79, %add3A : i32
    %add3A_81 = arith.constant 0 : i32
    %add3A_82 = arith.addi %add3A_80, %add3A_81 : i32
    %mul3A_83 = arith.constant 1024 : i32
    %mul3A_84 = arith.muli %add3A_82, %mul3A_83 : i32
    %dma_wait3A_85 = tpu.memref_slice %arg2[%mul3A_84] : memref<8388608xf32, #tpu.memory_space<hbm>> -> memref<16384xf32, #tpu.memory_space<hbm>>
    %dma_wait3A_86 = tpu.memref_slice %arg2[%mul3A_84] : memref<8388608xf32, #tpu.memory_space<hbm>> -> memref<16384xf32, #tpu.memory_space<hbm>>
    tpu.wait_dma2 semaphore(%arg13 : memref<!tpu.dma_semaphore, #tpu.memory_space<semaphore_mem>>) src(%dma_wait3A_86 : memref<16384xf32, #tpu.memory_space<hbm>>) dst(%arg7 : memref<16384xf32, #tpu.memory_space<vmem>>)
    %add3A_87 = arith.constant 0 : i32
    %add3A_88 = arith.addi %add3A_87, %add3A : i32
    %add3A_89 = arith.constant 0 : i32
    %add3A_90 = arith.addi %add3A_88, %add3A_89 : i32
    %mul3A_91 = arith.constant 1024 : i32
    %mul3A_92 = arith.muli %add3A_90, %mul3A_91 : i32
    %dma_wait3A_93 = tpu.memref_slice %arg4[%mul3A_92] : memref<8388608xf32, #tpu.memory_space<hbm>> -> memref<16384xf32, #tpu.memory_space<hbm>>
    %dma_wait3A_94 = tpu.memref_slice %arg4[%mul3A_92] : memref<8388608xf32, #tpu.memory_space<hbm>> -> memref<16384xf32, #tpu.memory_space<hbm>>
    tpu.wait_dma2 semaphore(%arg15 : memref<!tpu.dma_semaphore, #tpu.memory_space<semaphore_mem>>) src(%arg7 : memref<16384xf32, #tpu.memory_space<vmem>>) dst(%dma_wait3A_94 : memref<16384xf32, #tpu.memory_space<hbm>>)
    %add3A_95 = arith.constant 4096 : i32
    %add3A_96 = arith.addi %add3A_95, %add3A : i32
    %add3A_97 = arith.constant 0 : i32
    %add3A_98 = arith.addi %add3A_96, %add3A_97 : i32
    %mul3A_99 = arith.constant 1024 : i32
    %mul3A_100 = arith.muli %add3A_98, %mul3A_99 : i32
    %dma_start3A_101 = tpu.memref_slice %arg4[%mul3A_100] : memref<8388608xf32, #tpu.memory_space<hbm>> -> memref<16384xf32, #tpu.memory_space<hbm>>
    %dma_start3A_102 = tpu.memref_slice %arg4[%mul3A_100] : memref<8388608xf32, #tpu.memory_space<hbm>> -> memref<16384xf32, #tpu.memory_space<hbm>>
    tpu.enqueue_dma source(%arg7 : memref<16384xf32, #tpu.memory_space<vmem>>) target(%dma_start3A_102 : memref<16384xf32, #tpu.memory_space<hbm>>) target_semaphore(%arg15 : memref<!tpu.dma_semaphore, #tpu.memory_space<semaphore_mem>>)
    %add3A_103 = arith.constant 0 : i32
    %add3A_104 = arith.addi %add3A_103, %add3A : i32
    %add3A_105 = arith.constant 16 : i32
    %add3A_106 = arith.addi %add3A_104, %add3A_105 : i32
    %mul3A_107 = arith.constant 1024 : i32
    %mul3A_108 = arith.muli %add3A_106, %mul3A_107 : i32
    %dma_start3A_109 = tpu.memref_slice %arg2[%mul3A_108] : memref<8388608xf32, #tpu.memory_space<hbm>> -> memref<16384xf32, #tpu.memory_space<hbm>>
    %dma_start3A_110 = tpu.memref_slice %arg2[%mul3A_108] : memref<8388608xf32, #tpu.memory_space<hbm>> -> memref<16384xf32, #tpu.memory_space<hbm>>
    tpu.enqueue_dma source(%dma_start3A_110 : memref<16384xf32, #tpu.memory_space<hbm>>) target(%arg7 : memref<16384xf32, #tpu.memory_space<vmem>>) target_semaphore(%arg13 : memref<!tpu.dma_semaphore, #tpu.memory_space<semaphore_mem>>)
    %add3A_111 = arith.constant 6144 : i32
    %add3A_112 = arith.addi %add3A_111, %add3A : i32
    %add3A_113 = arith.constant 0 : i32
    %add3A_114 = arith.addi %add3A_112, %add3A_113 : i32
    %mul3A_115 = arith.constant 1024 : i32
    %mul3A_116 = arith.muli %add3A_114, %mul3A_115 : i32
    %dma_wait3A_117 = tpu.memref_slice %arg2[%mul3A_116] : memref<8388608xf32, #tpu.memory_space<hbm>> -> memref<16384xf32, #tpu.memory_space<hbm>>
    %dma_wait3A_118 = tpu.memref_slice %arg2[%mul3A_116] : memref<8388608xf32, #tpu.memory_space<hbm>> -> memref<16384xf32, #tpu.memory_space<hbm>>
    tpu.wait_dma2 semaphore(%arg14 : memref<!tpu.dma_semaphore, #tpu.memory_space<semaphore_mem>>) src(%dma_wait3A_118 : memref<16384xf32, #tpu.memory_space<hbm>>) dst(%arg8 : memref<16384xf32, #tpu.memory_space<vmem>>)
    %add3A_119 = arith.constant 2048 : i32
    %add3A_120 = arith.addi %add3A_119, %add3A : i32
    %add3A_121 = arith.constant 0 : i32
    %add3A_122 = arith.addi %add3A_120, %add3A_121 : i32
    %mul3A_123 = arith.constant 1024 : i32
    %mul3A_124 = arith.muli %add3A_122, %mul3A_123 : i32
    %dma_wait3A_125 = tpu.memref_slice %arg4[%mul3A_124] : memref<8388608xf32, #tpu.memory_space<hbm>> -> memref<16384xf32, #tpu.memory_space<hbm>>
    %dma_wait3A_126 = tpu.memref_slice %arg4[%mul3A_124] : memref<8388608xf32, #tpu.memory_space<hbm>> -> memref<16384xf32, #tpu.memory_space<hbm>>
    tpu.wait_dma2 semaphore(%arg16 : memref<!tpu.dma_semaphore, #tpu.memory_space<semaphore_mem>>) src(%arg8 : memref<16384xf32, #tpu.memory_space<vmem>>) dst(%dma_wait3A_126 : memref<16384xf32, #tpu.memory_space<hbm>>)
    %add3A_127 = arith.constant 6144 : i32
    %add3A_128 = arith.addi %add3A_127, %add3A : i32
    %add3A_129 = arith.constant 0 : i32
    %add3A_130 = arith.addi %add3A_128, %add3A_129 : i32
    %mul3A_131 = arith.constant 1024 : i32
    %mul3A_132 = arith.muli %add3A_130, %mul3A_131 : i32
    %dma_start3A_133 = tpu.memref_slice %arg4[%mul3A_132] : memref<8388608xf32, #tpu.memory_space<hbm>> -> memref<16384xf32, #tpu.memory_space<hbm>>
    %dma_start3A_134 = tpu.memref_slice %arg4[%mul3A_132] : memref<8388608xf32, #tpu.memory_space<hbm>> -> memref<16384xf32, #tpu.memory_space<hbm>>
    tpu.enqueue_dma source(%arg8 : memref<16384xf32, #tpu.memory_space<vmem>>) target(%dma_start3A_134 : memref<16384xf32, #tpu.memory_space<hbm>>) target_semaphore(%arg16 : memref<!tpu.dma_semaphore, #tpu.memory_space<semaphore_mem>>)
    %add3A_135 = arith.constant 2048 : i32
    %add3A_136 = arith.addi %add3A_135, %add3A : i32
    %add3A_137 = arith.constant 16 : i32
    %add3A_138 = arith.addi %add3A_136, %add3A_137 : i32
    %mul3A_139 = arith.constant 1024 : i32
    %mul3A_140 = arith.muli %add3A_138, %mul3A_139 : i32
    %dma_start3A_141 = tpu.memref_slice %arg2[%mul3A_140] : memref<8388608xf32, #tpu.memory_space<hbm>> -> memref<16384xf32, #tpu.memory_space<hbm>>
    %dma_start3A_142 = tpu.memref_slice %arg2[%mul3A_140] : memref<8388608xf32, #tpu.memory_space<hbm>> -> memref<16384xf32, #tpu.memory_space<hbm>>
    tpu.enqueue_dma source(%dma_start3A_142 : memref<16384xf32, #tpu.memory_space<hbm>>) target(%arg8 : memref<16384xf32, #tpu.memory_space<vmem>>) target_semaphore(%arg14 : memref<!tpu.dma_semaphore, #tpu.memory_space<semaphore_mem>>)
    %add3A_143 = arith.constant 32768 : i32
    %add3A_144 = arith.addi %mul3A_4, %add3A_143 : i32
    %dma_start3A_145 = tpu.memref_slice %arg3[%add3A_144] : memref<8388608xf32, #tpu.memory_space<hbm>> -> memref<16384xf32, #tpu.memory_space<hbm>>
    %dma_start3A_146 = tpu.memref_slice %arg3[%add3A_144] : memref<8388608xf32, #tpu.memory_space<hbm>> -> memref<16384xf32, #tpu.memory_space<hbm>>
    tpu.enqueue_dma source(%dma_start3A_146 : memref<16384xf32, #tpu.memory_space<hbm>>) target(%arg5 : memref<16384xf32, #tpu.memory_space<vmem>>) target_semaphore(%arg11 : memref<!tpu.dma_semaphore, #tpu.memory_space<semaphore_mem>>)
    %add3A_147 = arith.constant 16384 : i32
    %add3A_148 = arith.addi %mul3A_4, %add3A_147 : i32
    %dma_wait3A_149 = tpu.memref_slice %arg3[%add3A_148] : memref<8388608xf32, #tpu.memory_space<hbm>> -> memref<16384xf32, #tpu.memory_space<hbm>>
    %dma_wait3A_150 = tpu.memref_slice %arg3[%add3A_148] : memref<8388608xf32, #tpu.memory_space<hbm>> -> memref<16384xf32, #tpu.memory_space<hbm>>
    tpu.wait_dma2 semaphore(%arg12 : memref<!tpu.dma_semaphore, #tpu.memory_space<semaphore_mem>>) src(%dma_wait3A_150 : memref<16384xf32, #tpu.memory_space<hbm>>) dst(%arg6 : memref<16384xf32, #tpu.memory_space<vmem>>)
    %add3A_151 = arith.constant 0 : i32
    %add3A_152 = arith.addi %add3A_151, %add3A : i32
    %add3A_153 = arith.constant 16 : i32
    %add3A_154 = arith.addi %add3A_152, %add3A_153 : i32
    %mul3A_155 = arith.constant 1024 : i32
    %mul3A_156 = arith.muli %add3A_154, %mul3A_155 : i32
    %dma_wait3A_157 = tpu.memref_slice %arg2[%mul3A_156] : memref<8388608xf32, #tpu.memory_space<hbm>> -> memref<16384xf32, #tpu.memory_space<hbm>>
    %dma_wait3A_158 = tpu.memref_slice %arg2[%mul3A_156] : memref<8388608xf32, #tpu.memory_space<hbm>> -> memref<16384xf32, #tpu.memory_space<hbm>>
    tpu.wait_dma2 semaphore(%arg13 : memref<!tpu.dma_semaphore, #tpu.memory_space<semaphore_mem>>) src(%dma_wait3A_158 : memref<16384xf32, #tpu.memory_space<hbm>>) dst(%arg7 : memref<16384xf32, #tpu.memory_space<vmem>>)
    %add3A_159 = arith.constant 4096 : i32
    %add3A_160 = arith.addi %add3A_159, %add3A : i32
    %add3A_161 = arith.constant 0 : i32
    %add3A_162 = arith.addi %add3A_160, %add3A_161 : i32
    %mul3A_163 = arith.constant 1024 : i32
    %mul3A_164 = arith.muli %add3A_162, %mul3A_163 : i32
    %dma_wait3A_165 = tpu.memref_slice %arg4[%mul3A_164] : memref<8388608xf32, #tpu.memory_space<hbm>> -> memref<16384xf32, #tpu.memory_space<hbm>>
    %dma_wait3A_166 = tpu.memref_slice %arg4[%mul3A_164] : memref<8388608xf32, #tpu.memory_space<hbm>> -> memref<16384xf32, #tpu.memory_space<hbm>>
    tpu.wait_dma2 semaphore(%arg15 : memref<!tpu.dma_semaphore, #tpu.memory_space<semaphore_mem>>) src(%arg7 : memref<16384xf32, #tpu.memory_space<vmem>>) dst(%dma_wait3A_166 : memref<16384xf32, #tpu.memory_space<hbm>>)
    %add3A_167 = arith.constant 0 : i32
    %add3A_168 = arith.addi %add3A_167, %add3A : i32
    %add3A_169 = arith.constant 16 : i32
    %add3A_170 = arith.addi %add3A_168, %add3A_169 : i32
    %mul3A_171 = arith.constant 1024 : i32
    %mul3A_172 = arith.muli %add3A_170, %mul3A_171 : i32
    %dma_start3A_173 = tpu.memref_slice %arg4[%mul3A_172] : memref<8388608xf32, #tpu.memory_space<hbm>> -> memref<16384xf32, #tpu.memory_space<hbm>>
    %dma_start3A_174 = tpu.memref_slice %arg4[%mul3A_172] : memref<8388608xf32, #tpu.memory_space<hbm>> -> memref<16384xf32, #tpu.memory_space<hbm>>
    tpu.enqueue_dma source(%arg7 : memref<16384xf32, #tpu.memory_space<vmem>>) target(%dma_start3A_174 : memref<16384xf32, #tpu.memory_space<hbm>>) target_semaphore(%arg15 : memref<!tpu.dma_semaphore, #tpu.memory_space<semaphore_mem>>)
    %add3A_175 = arith.constant 4096 : i32
    %add3A_176 = arith.addi %add3A_175, %add3A : i32
    %add3A_177 = arith.constant 16 : i32
    %add3A_178 = arith.addi %add3A_176, %add3A_177 : i32
    %mul3A_179 = arith.constant 1024 : i32
    %mul3A_180 = arith.muli %add3A_178, %mul3A_179 : i32
    %dma_start3A_181 = tpu.memref_slice %arg2[%mul3A_180] : memref<8388608xf32, #tpu.memory_space<hbm>> -> memref<16384xf32, #tpu.memory_space<hbm>>
    %dma_start3A_182 = tpu.memref_slice %arg2[%mul3A_180] : memref<8388608xf32, #tpu.memory_space<hbm>> -> memref<16384xf32, #tpu.memory_space<hbm>>
    tpu.enqueue_dma source(%dma_start3A_182 : memref<16384xf32, #tpu.memory_space<hbm>>) target(%arg7 : memref<16384xf32, #tpu.memory_space<vmem>>) target_semaphore(%arg13 : memref<!tpu.dma_semaphore, #tpu.memory_space<semaphore_mem>>)
    %add3A_183 = arith.constant 2048 : i32
    %add3A_184 = arith.addi %add3A_183, %add3A : i32
    %add3A_185 = arith.constant 16 : i32
    %add3A_186 = arith.addi %add3A_184, %add3A_185 : i32
    %mul3A_187 = arith.constant 1024 : i32
    %mul3A_188 = arith.muli %add3A_186, %mul3A_187 : i32
    %dma_wait3A_189 = tpu.memref_slice %arg2[%mul3A_188] : memref<8388608xf32, #tpu.memory_space<hbm>> -> memref<16384xf32, #tpu.memory_space<hbm>>
    %dma_wait3A_190 = tpu.memref_slice %arg2[%mul3A_188] : memref<8388608xf32, #tpu.memory_space<hbm>> -> memref<16384xf32, #tpu.memory_space<hbm>>
    tpu.wait_dma2 semaphore(%arg14 : memref<!tpu.dma_semaphore, #tpu.memory_space<semaphore_mem>>) src(%dma_wait3A_190 : memref<16384xf32, #tpu.memory_space<hbm>>) dst(%arg8 : memref<16384xf32, #tpu.memory_space<vmem>>)
    %add3A_191 = arith.constant 6144 : i32
    %add3A_192 = arith.addi %add3A_191, %add3A : i32
    %add3A_193 = arith.constant 0 : i32
    %add3A_194 = arith.addi %add3A_192, %add3A_193 : i32
    %mul3A_195 = arith.constant 1024 : i32
    %mul3A_196 = arith.muli %add3A_194, %mul3A_195 : i32
    %dma_wait3A_197 = tpu.memref_slice %arg4[%mul3A_196] : memref<8388608xf32, #tpu.memory_space<hbm>> -> memref<16384xf32, #tpu.memory_space<hbm>>
    %dma_wait3A_198 = tpu.memref_slice %arg4[%mul3A_196] : memref<8388608xf32, #tpu.memory_space<hbm>> -> memref<16384xf32, #tpu.memory_space<hbm>>
    tpu.wait_dma2 semaphore(%arg16 : memref<!tpu.dma_semaphore, #tpu.memory_space<semaphore_mem>>) src(%arg8 : memref<16384xf32, #tpu.memory_space<vmem>>) dst(%dma_wait3A_198 : memref<16384xf32, #tpu.memory_space<hbm>>)
    %add3A_199 = arith.constant 2048 : i32
    %add3A_200 = arith.addi %add3A_199, %add3A : i32
    %add3A_201 = arith.constant 16 : i32
    %add3A_202 = arith.addi %add3A_200, %add3A_201 : i32
    %mul3A_203 = arith.constant 1024 : i32
    %mul3A_204 = arith.muli %add3A_202, %mul3A_203 : i32
    %dma_start3A_205 = tpu.memref_slice %arg4[%mul3A_204] : memref<8388608xf32, #tpu.memory_space<hbm>> -> memref<16384xf32, #tpu.memory_space<hbm>>
    %dma_start3A_206 = tpu.memref_slice %arg4[%mul3A_204] : memref<8388608xf32, #tpu.memory_space<hbm>> -> memref<16384xf32, #tpu.memory_space<hbm>>
    tpu.enqueue_dma source(%arg8 : memref<16384xf32, #tpu.memory_space<vmem>>) target(%dma_start3A_206 : memref<16384xf32, #tpu.memory_space<hbm>>) target_semaphore(%arg16 : memref<!tpu.dma_semaphore, #tpu.memory_space<semaphore_mem>>)
    %add3A_207 = arith.constant 6144 : i32
    %add3A_208 = arith.addi %add3A_207, %add3A : i32
    %add3A_209 = arith.constant 16 : i32
    %add3A_210 = arith.addi %add3A_208, %add3A_209 : i32
    %mul3A_211 = arith.constant 1024 : i32
    %mul3A_212 = arith.muli %add3A_210, %mul3A_211 : i32
    %dma_start3A_213 = tpu.memref_slice %arg2[%mul3A_212] : memref<8388608xf32, #tpu.memory_space<hbm>> -> memref<16384xf32, #tpu.memory_space<hbm>>
    %dma_start3A_214 = tpu.memref_slice %arg2[%mul3A_212] : memref<8388608xf32, #tpu.memory_space<hbm>> -> memref<16384xf32, #tpu.memory_space<hbm>>
    tpu.enqueue_dma source(%dma_start3A_214 : memref<16384xf32, #tpu.memory_space<hbm>>) target(%arg8 : memref<16384xf32, #tpu.memory_space<vmem>>) target_semaphore(%arg14 : memref<!tpu.dma_semaphore, #tpu.memory_space<semaphore_mem>>)
    %add3A_215 = arith.constant 4096 : i32
    %add3A_216 = arith.addi %add3A_215, %add3A : i32
    %add3A_217 = arith.constant 16 : i32
    %add3A_218 = arith.addi %add3A_216, %add3A_217 : i32
    %mul3A_219 = arith.constant 1024 : i32
    %mul3A_220 = arith.muli %add3A_218, %mul3A_219 : i32
    %dma_wait3A_221 = tpu.memref_slice %arg2[%mul3A_220] : memref<8388608xf32, #tpu.memory_space<hbm>> -> memref<16384xf32, #tpu.memory_space<hbm>>
    %dma_wait3A_222 = tpu.memref_slice %arg2[%mul3A_220] : memref<8388608xf32, #tpu.memory_space<hbm>> -> memref<16384xf32, #tpu.memory_space<hbm>>
    tpu.wait_dma2 semaphore(%arg13 : memref<!tpu.dma_semaphore, #tpu.memory_space<semaphore_mem>>) src(%dma_wait3A_222 : memref<16384xf32, #tpu.memory_space<hbm>>) dst(%arg7 : memref<16384xf32, #tpu.memory_space<vmem>>)
    %add3A_223 = arith.constant 0 : i32
    %add3A_224 = arith.addi %add3A_223, %add3A : i32
    %add3A_225 = arith.constant 16 : i32
    %add3A_226 = arith.addi %add3A_224, %add3A_225 : i32
    %mul3A_227 = arith.constant 1024 : i32
    %mul3A_228 = arith.muli %add3A_226, %mul3A_227 : i32
    %dma_wait3A_229 = tpu.memref_slice %arg4[%mul3A_228] : memref<8388608xf32, #tpu.memory_space<hbm>> -> memref<16384xf32, #tpu.memory_space<hbm>>
    %dma_wait3A_230 = tpu.memref_slice %arg4[%mul3A_228] : memref<8388608xf32, #tpu.memory_space<hbm>> -> memref<16384xf32, #tpu.memory_space<hbm>>
    tpu.wait_dma2 semaphore(%arg15 : memref<!tpu.dma_semaphore, #tpu.memory_space<semaphore_mem>>) src(%arg7 : memref<16384xf32, #tpu.memory_space<vmem>>) dst(%dma_wait3A_230 : memref<16384xf32, #tpu.memory_space<hbm>>)
    %add3A_231 = arith.constant 4096 : i32
    %add3A_232 = arith.addi %add3A_231, %add3A : i32
    %add3A_233 = arith.constant 16 : i32
    %add3A_234 = arith.addi %add3A_232, %add3A_233 : i32
    %mul3A_235 = arith.constant 1024 : i32
    %mul3A_236 = arith.muli %add3A_234, %mul3A_235 : i32
    %dma_start3A_237 = tpu.memref_slice %arg4[%mul3A_236] : memref<8388608xf32, #tpu.memory_space<hbm>> -> memref<16384xf32, #tpu.memory_space<hbm>>
    %dma_start3A_238 = tpu.memref_slice %arg4[%mul3A_236] : memref<8388608xf32, #tpu.memory_space<hbm>> -> memref<16384xf32, #tpu.memory_space<hbm>>
    tpu.enqueue_dma source(%arg7 : memref<16384xf32, #tpu.memory_space<vmem>>) target(%dma_start3A_238 : memref<16384xf32, #tpu.memory_space<hbm>>) target_semaphore(%arg15 : memref<!tpu.dma_semaphore, #tpu.memory_space<semaphore_mem>>)
    %add3A_239 = arith.constant 0 : i32
    %add3A_240 = arith.addi %add3A_239, %add3A : i32
    %add3A_241 = arith.constant 32 : i32
    %add3A_242 = arith.addi %add3A_240, %add3A_241 : i32
    %mul3A_243 = arith.constant 1024 : i32
    %mul3A_244 = arith.muli %add3A_242, %mul3A_243 : i32
    %dma_start3A_245 = tpu.memref_slice %arg2[%mul3A_244] : memref<8388608xf32, #tpu.memory_space<hbm>> -> memref<16384xf32, #tpu.memory_space<hbm>>
    %dma_start3A_246 = tpu.memref_slice %arg2[%mul3A_244] : memref<8388608xf32, #tpu.memory_space<hbm>> -> memref<16384xf32, #tpu.memory_space<hbm>>
    tpu.enqueue_dma source(%dma_start3A_246 : memref<16384xf32, #tpu.memory_space<hbm>>) target(%arg7 : memref<16384xf32, #tpu.memory_space<vmem>>) target_semaphore(%arg13 : memref<!tpu.dma_semaphore, #tpu.memory_space<semaphore_mem>>)
    %add3A_247 = arith.constant 6144 : i32
    %add3A_248 = arith.addi %add3A_247, %add3A : i32
    %add3A_249 = arith.constant 16 : i32
    %add3A_250 = arith.addi %add3A_248, %add3A_249 : i32
    %mul3A_251 = arith.constant 1024 : i32
    %mul3A_252 = arith.muli %add3A_250, %mul3A_251 : i32
    %dma_wait3A_253 = tpu.memref_slice %arg2[%mul3A_252] : memref<8388608xf32, #tpu.memory_space<hbm>> -> memref<16384xf32, #tpu.memory_space<hbm>>
    %dma_wait3A_254 = tpu.memref_slice %arg2[%mul3A_252] : memref<8388608xf32, #tpu.memory_space<hbm>> -> memref<16384xf32, #tpu.memory_space<hbm>>
    tpu.wait_dma2 semaphore(%arg14 : memref<!tpu.dma_semaphore, #tpu.memory_space<semaphore_mem>>) src(%dma_wait3A_254 : memref<16384xf32, #tpu.memory_space<hbm>>) dst(%arg8 : memref<16384xf32, #tpu.memory_space<vmem>>)
    %add3A_255 = arith.constant 2048 : i32
    %add3A_256 = arith.addi %add3A_255, %add3A : i32
    %add3A_257 = arith.constant 16 : i32
    %add3A_258 = arith.addi %add3A_256, %add3A_257 : i32
    %mul3A_259 = arith.constant 1024 : i32
    %mul3A_260 = arith.muli %add3A_258, %mul3A_259 : i32
    %dma_wait3A_261 = tpu.memref_slice %arg4[%mul3A_260] : memref<8388608xf32, #tpu.memory_space<hbm>> -> memref<16384xf32, #tpu.memory_space<hbm>>
    %dma_wait3A_262 = tpu.memref_slice %arg4[%mul3A_260] : memref<8388608xf32, #tpu.memory_space<hbm>> -> memref<16384xf32, #tpu.memory_space<hbm>>
    tpu.wait_dma2 semaphore(%arg16 : memref<!tpu.dma_semaphore, #tpu.memory_space<semaphore_mem>>) src(%arg8 : memref<16384xf32, #tpu.memory_space<vmem>>) dst(%dma_wait3A_262 : memref<16384xf32, #tpu.memory_space<hbm>>)
    %add3A_263 = arith.constant 6144 : i32
    %add3A_264 = arith.addi %add3A_263, %add3A : i32
    %add3A_265 = arith.constant 16 : i32
    %add3A_266 = arith.addi %add3A_264, %add3A_265 : i32
    %mul3A_267 = arith.constant 1024 : i32
    %mul3A_268 = arith.muli %add3A_266, %mul3A_267 : i32
    %dma_start3A_269 = tpu.memref_slice %arg4[%mul3A_268] : memref<8388608xf32, #tpu.memory_space<hbm>> -> memref<16384xf32, #tpu.memory_space<hbm>>
    %dma_start3A_270 = tpu.memref_slice %arg4[%mul3A_268] : memref<8388608xf32, #tpu.memory_space<hbm>> -> memref<16384xf32, #tpu.memory_space<hbm>>
    tpu.enqueue_dma source(%arg8 : memref<16384xf32, #tpu.memory_space<vmem>>) target(%dma_start3A_270 : memref<16384xf32, #tpu.memory_space<hbm>>) target_semaphore(%arg16 : memref<!tpu.dma_semaphore, #tpu.memory_space<semaphore_mem>>)
    %add3A_271 = arith.constant 2048 : i32
    %add3A_272 = arith.addi %add3A_271, %add3A : i32
    %add3A_273 = arith.constant 32 : i32
    %add3A_274 = arith.addi %add3A_272, %add3A_273 : i32
    %mul3A_275 = arith.constant 1024 : i32
    %mul3A_276 = arith.muli %add3A_274, %mul3A_275 : i32
    %dma_start3A_277 = tpu.memref_slice %arg2[%mul3A_276] : memref<8388608xf32, #tpu.memory_space<hbm>> -> memref<16384xf32, #tpu.memory_space<hbm>>
    %dma_start3A_278 = tpu.memref_slice %arg2[%mul3A_276] : memref<8388608xf32, #tpu.memory_space<hbm>> -> memref<16384xf32, #tpu.memory_space<hbm>>
    tpu.enqueue_dma source(%dma_start3A_278 : memref<16384xf32, #tpu.memory_space<hbm>>) target(%arg8 : memref<16384xf32, #tpu.memory_space<vmem>>) target_semaphore(%arg14 : memref<!tpu.dma_semaphore, #tpu.memory_space<semaphore_mem>>)
    %add3A_279 = arith.constant 49152 : i32
    %add3A_280 = arith.addi %mul3A_4, %add3A_279 : i32
    %dma_start3A_281 = tpu.memref_slice %arg3[%add3A_280] : memref<8388608xf32, #tpu.memory_space<hbm>> -> memref<16384xf32, #tpu.memory_space<hbm>>
    %dma_start3A_282 = tpu.memref_slice %arg3[%add3A_280] : memref<8388608xf32, #tpu.memory_space<hbm>> -> memref<16384xf32, #tpu.memory_space<hbm>>
    tpu.enqueue_dma source(%dma_start3A_282 : memref<16384xf32, #tpu.memory_space<hbm>>) target(%arg6 : memref<16384xf32, #tpu.memory_space<vmem>>) target_semaphore(%arg12 : memref<!tpu.dma_semaphore, #tpu.memory_space<semaphore_mem>>)
    %add3A_283 = arith.constant 32768 : i32
    %add3A_284 = arith.addi %mul3A_4, %add3A_283 : i32
    %dma_wait3A_285 = tpu.memref_slice %arg3[%add3A_284] : memref<8388608xf32, #tpu.memory_space<hbm>> -> memref<16384xf32, #tpu.memory_space<hbm>>
    %dma_wait3A_286 = tpu.memref_slice %arg3[%add3A_284] : memref<8388608xf32, #tpu.memory_space<hbm>> -> memref<16384xf32, #tpu.memory_space<hbm>>
    tpu.wait_dma2 semaphore(%arg11 : memref<!tpu.dma_semaphore, #tpu.memory_space<semaphore_mem>>) src(%dma_wait3A_286 : memref<16384xf32, #tpu.memory_space<hbm>>) dst(%arg5 : memref<16384xf32, #tpu.memory_space<vmem>>)
    %add3A_287 = arith.constant 0 : i32
    %add3A_288 = arith.addi %add3A_287, %add3A : i32
    %add3A_289 = arith.constant 32 : i32
    %add3A_290 = arith.addi %add3A_288, %add3A_289 : i32
    %mul3A_291 = arith.constant 1024 : i32
    %mul3A_292 = arith.muli %add3A_290, %mul3A_291 : i32
    %dma_wait3A_293 = tpu.memref_slice %arg2[%mul3A_292] : memref<8388608xf32, #tpu.memory_space<hbm>> -> memref<16384xf32, #tpu.memory_space<hbm>>
    %dma_wait3A_294 = tpu.memref_slice %arg2[%mul3A_292] : memref<8388608xf32, #tpu.memory_space<hbm>> -> memref<16384xf32, #tpu.memory_space<hbm>>
    tpu.wait_dma2 semaphore(%arg13 : memref<!tpu.dma_semaphore, #tpu.memory_space<semaphore_mem>>) src(%dma_wait3A_294 : memref<16384xf32, #tpu.memory_space<hbm>>) dst(%arg7 : memref<16384xf32, #tpu.memory_space<vmem>>)
    %add3A_295 = arith.constant 4096 : i32
    %add3A_296 = arith.addi %add3A_295, %add3A : i32
    %add3A_297 = arith.constant 16 : i32
    %add3A_298 = arith.addi %add3A_296, %add3A_297 : i32
    %mul3A_299 = arith.constant 1024 : i32
    %mul3A_300 = arith.muli %add3A_298, %mul3A_299 : i32
    %dma_wait3A_301 = tpu.memref_slice %arg4[%mul3A_300] : memref<8388608xf32, #tpu.memory_space<hbm>> -> memref<16384xf32, #tpu.memory_space<hbm>>
    %dma_wait3A_302 = tpu.memref_slice %arg4[%mul3A_300] : memref<8388608xf32, #tpu.memory_space<hbm>> -> memref<16384xf32, #tpu.memory_space<hbm>>
    tpu.wait_dma2 semaphore(%arg15 : memref<!tpu.dma_semaphore, #tpu.memory_space<semaphore_mem>>) src(%arg7 : memref<16384xf32, #tpu.memory_space<vmem>>) dst(%dma_wait3A_302 : memref<16384xf32, #tpu.memory_space<hbm>>)
    %add3A_303 = arith.constant 0 : i32
    %add3A_304 = arith.addi %add3A_303, %add3A : i32
    %add3A_305 = arith.constant 32 : i32
    %add3A_306 = arith.addi %add3A_304, %add3A_305 : i32
    %mul3A_307 = arith.constant 1024 : i32
    %mul3A_308 = arith.muli %add3A_306, %mul3A_307 : i32
    %dma_start3A_309 = tpu.memref_slice %arg4[%mul3A_308] : memref<8388608xf32, #tpu.memory_space<hbm>> -> memref<16384xf32, #tpu.memory_space<hbm>>
    %dma_start3A_310 = tpu.memref_slice %arg4[%mul3A_308] : memref<8388608xf32, #tpu.memory_space<hbm>> -> memref<16384xf32, #tpu.memory_space<hbm>>
    tpu.enqueue_dma source(%arg7 : memref<16384xf32, #tpu.memory_space<vmem>>) target(%dma_start3A_310 : memref<16384xf32, #tpu.memory_space<hbm>>) target_semaphore(%arg15 : memref<!tpu.dma_semaphore, #tpu.memory_space<semaphore_mem>>)
    %add3A_311 = arith.constant 4096 : i32
    %add3A_312 = arith.addi %add3A_311, %add3A : i32
    %add3A_313 = arith.constant 32 : i32
    %add3A_314 = arith.addi %add3A_312, %add3A_313 : i32
    %mul3A_315 = arith.constant 1024 : i32
    %mul3A_316 = arith.muli %add3A_314, %mul3A_315 : i32
    %dma_start3A_317 = tpu.memref_slice %arg2[%mul3A_316] : memref<8388608xf32, #tpu.memory_space<hbm>> -> memref<16384xf32, #tpu.memory_space<hbm>>
    %dma_start3A_318 = tpu.memref_slice %arg2[%mul3A_316] : memref<8388608xf32, #tpu.memory_space<hbm>> -> memref<16384xf32, #tpu.memory_space<hbm>>
    tpu.enqueue_dma source(%dma_start3A_318 : memref<16384xf32, #tpu.memory_space<hbm>>) target(%arg7 : memref<16384xf32, #tpu.memory_space<vmem>>) target_semaphore(%arg13 : memref<!tpu.dma_semaphore, #tpu.memory_space<semaphore_mem>>)
    %add3A_319 = arith.constant 2048 : i32
    %add3A_320 = arith.addi %add3A_319, %add3A : i32
    %add3A_321 = arith.constant 32 : i32
    %add3A_322 = arith.addi %add3A_320, %add3A_321 : i32
    %mul3A_323 = arith.constant 1024 : i32
    %mul3A_324 = arith.muli %add3A_322, %mul3A_323 : i32
    %dma_wait3A_325 = tpu.memref_slice %arg2[%mul3A_324] : memref<8388608xf32, #tpu.memory_space<hbm>> -> memref<16384xf32, #tpu.memory_space<hbm>>
    %dma_wait3A_326 = tpu.memref_slice %arg2[%mul3A_324] : memref<8388608xf32, #tpu.memory_space<hbm>> -> memref<16384xf32, #tpu.memory_space<hbm>>
    tpu.wait_dma2 semaphore(%arg14 : memref<!tpu.dma_semaphore, #tpu.memory_space<semaphore_mem>>) src(%dma_wait3A_326 : memref<16384xf32, #tpu.memory_space<hbm>>) dst(%arg8 : memref<16384xf32, #tpu.memory_space<vmem>>)
    %add3A_327 = arith.constant 6144 : i32
    %add3A_328 = arith.addi %add3A_327, %add3A : i32
    %add3A_329 = arith.constant 16 : i32
    %add3A_330 = arith.addi %add3A_328, %add3A_329 : i32
    %mul3A_331 = arith.constant 1024 : i32
    %mul3A_332 = arith.muli %add3A_330, %mul3A_331 : i32
    %dma_wait3A_333 = tpu.memref_slice %arg4[%mul3A_332] : memref<8388608xf32, #tpu.memory_space<hbm>> -> memref<16384xf32, #tpu.memory_space<hbm>>
    %dma_wait3A_334 = tpu.memref_slice %arg4[%mul3A_332] : memref<8388608xf32, #tpu.memory_space<hbm>> -> memref<16384xf32, #tpu.memory_space<hbm>>
    tpu.wait_dma2 semaphore(%arg16 : memref<!tpu.dma_semaphore, #tpu.memory_space<semaphore_mem>>) src(%arg8 : memref<16384xf32, #tpu.memory_space<vmem>>) dst(%dma_wait3A_334 : memref<16384xf32, #tpu.memory_space<hbm>>)
    %add3A_335 = arith.constant 2048 : i32
    %add3A_336 = arith.addi %add3A_335, %add3A : i32
    %add3A_337 = arith.constant 32 : i32
    %add3A_338 = arith.addi %add3A_336, %add3A_337 : i32
    %mul3A_339 = arith.constant 1024 : i32
    %mul3A_340 = arith.muli %add3A_338, %mul3A_339 : i32
    %dma_start3A_341 = tpu.memref_slice %arg4[%mul3A_340] : memref<8388608xf32, #tpu.memory_space<hbm>> -> memref<16384xf32, #tpu.memory_space<hbm>>
    %dma_start3A_342 = tpu.memref_slice %arg4[%mul3A_340] : memref<8388608xf32, #tpu.memory_space<hbm>> -> memref<16384xf32, #tpu.memory_space<hbm>>
    tpu.enqueue_dma source(%arg8 : memref<16384xf32, #tpu.memory_space<vmem>>) target(%dma_start3A_342 : memref<16384xf32, #tpu.memory_space<hbm>>) target_semaphore(%arg16 : memref<!tpu.dma_semaphore, #tpu.memory_space<semaphore_mem>>)
    %add3A_343 = arith.constant 6144 : i32
    %add3A_344 = arith.addi %add3A_343, %add3A : i32
    %add3A_345 = arith.constant 32 : i32
    %add3A_346 = arith.addi %add3A_344, %add3A_345 : i32
    %mul3A_347 = arith.constant 1024 : i32
    %mul3A_348 = arith.muli %add3A_346, %mul3A_347 : i32
    %dma_start3A_349 = tpu.memref_slice %arg2[%mul3A_348] : memref<8388608xf32, #tpu.memory_space<hbm>> -> memref<16384xf32, #tpu.memory_space<hbm>>
    %dma_start3A_350 = tpu.memref_slice %arg2[%mul3A_348] : memref<8388608xf32, #tpu.memory_space<hbm>> -> memref<16384xf32, #tpu.memory_space<hbm>>
    tpu.enqueue_dma source(%dma_start3A_350 : memref<16384xf32, #tpu.memory_space<hbm>>) target(%arg8 : memref<16384xf32, #tpu.memory_space<vmem>>) target_semaphore(%arg14 : memref<!tpu.dma_semaphore, #tpu.memory_space<semaphore_mem>>)
    %add3A_351 = arith.constant 4096 : i32
    %add3A_352 = arith.addi %add3A_351, %add3A : i32
    %add3A_353 = arith.constant 32 : i32
    %add3A_354 = arith.addi %add3A_352, %add3A_353 : i32
    %mul3A_355 = arith.constant 1024 : i32
    %mul3A_356 = arith.muli %add3A_354, %mul3A_355 : i32
    %dma_wait3A_357 = tpu.memref_slice %arg2[%mul3A_356] : memref<8388608xf32, #tpu.memory_space<hbm>> -> memref<16384xf32, #tpu.memory_space<hbm>>
    %dma_wait3A_358 = tpu.memref_slice %arg2[%mul3A_356] : memref<8388608xf32, #tpu.memory_space<hbm>> -> memref<16384xf32, #tpu.memory_space<hbm>>
    tpu.wait_dma2 semaphore(%arg13 : memref<!tpu.dma_semaphore, #tpu.memory_space<semaphore_mem>>) src(%dma_wait3A_358 : memref<16384xf32, #tpu.memory_space<hbm>>) dst(%arg7 : memref<16384xf32, #tpu.memory_space<vmem>>)
    %add3A_359 = arith.constant 0 : i32
    %add3A_360 = arith.addi %add3A_359, %add3A : i32
    %add3A_361 = arith.constant 32 : i32
    %add3A_362 = arith.addi %add3A_360, %add3A_361 : i32
    %mul3A_363 = arith.constant 1024 : i32
    %mul3A_364 = arith.muli %add3A_362, %mul3A_363 : i32
    %dma_wait3A_365 = tpu.memref_slice %arg4[%mul3A_364] : memref<8388608xf32, #tpu.memory_space<hbm>> -> memref<16384xf32, #tpu.memory_space<hbm>>
    %dma_wait3A_366 = tpu.memref_slice %arg4[%mul3A_364] : memref<8388608xf32, #tpu.memory_space<hbm>> -> memref<16384xf32, #tpu.memory_space<hbm>>
    tpu.wait_dma2 semaphore(%arg15 : memref<!tpu.dma_semaphore, #tpu.memory_space<semaphore_mem>>) src(%arg7 : memref<16384xf32, #tpu.memory_space<vmem>>) dst(%dma_wait3A_366 : memref<16384xf32, #tpu.memory_space<hbm>>)
    %add3A_367 = arith.constant 4096 : i32
    %add3A_368 = arith.addi %add3A_367, %add3A : i32
    %add3A_369 = arith.constant 32 : i32
    %add3A_370 = arith.addi %add3A_368, %add3A_369 : i32
    %mul3A_371 = arith.constant 1024 : i32
    %mul3A_372 = arith.muli %add3A_370, %mul3A_371 : i32
    %dma_start3A_373 = tpu.memref_slice %arg4[%mul3A_372] : memref<8388608xf32, #tpu.memory_space<hbm>> -> memref<16384xf32, #tpu.memory_space<hbm>>
    %dma_start3A_374 = tpu.memref_slice %arg4[%mul3A_372] : memref<8388608xf32, #tpu.memory_space<hbm>> -> memref<16384xf32, #tpu.memory_space<hbm>>
    tpu.enqueue_dma source(%arg7 : memref<16384xf32, #tpu.memory_space<vmem>>) target(%dma_start3A_374 : memref<16384xf32, #tpu.memory_space<hbm>>) target_semaphore(%arg15 : memref<!tpu.dma_semaphore, #tpu.memory_space<semaphore_mem>>)
    %add3A_375 = arith.constant 0 : i32
    %add3A_376 = arith.addi %add3A_375, %add3A : i32
    %add3A_377 = arith.constant 48 : i32
    %add3A_378 = arith.addi %add3A_376, %add3A_377 : i32
    %mul3A_379 = arith.constant 1024 : i32
    %mul3A_380 = arith.muli %add3A_378, %mul3A_379 : i32
    %dma_start3A_381 = tpu.memref_slice %arg2[%mul3A_380] : memref<8388608xf32, #tpu.memory_space<hbm>> -> memref<16384xf32, #tpu.memory_space<hbm>>
    %dma_start3A_382 = tpu.memref_slice %arg2[%mul3A_380] : memref<8388608xf32, #tpu.memory_space<hbm>> -> memref<16384xf32, #tpu.memory_space<hbm>>
    tpu.enqueue_dma source(%dma_start3A_382 : memref<16384xf32, #tpu.memory_space<hbm>>) target(%arg7 : memref<16384xf32, #tpu.memory_space<vmem>>) target_semaphore(%arg13 : memref<!tpu.dma_semaphore, #tpu.memory_space<semaphore_mem>>)
    %add3A_383 = arith.constant 6144 : i32
    %add3A_384 = arith.addi %add3A_383, %add3A : i32
    %add3A_385 = arith.constant 32 : i32
    %add3A_386 = arith.addi %add3A_384, %add3A_385 : i32
    %mul3A_387 = arith.constant 1024 : i32
    %mul3A_388 = arith.muli %add3A_386, %mul3A_387 : i32
    %dma_wait3A_389 = tpu.memref_slice %arg2[%mul3A_388] : memref<8388608xf32, #tpu.memory_space<hbm>> -> memref<16384xf32, #tpu.memory_space<hbm>>
    %dma_wait3A_390 = tpu.memref_slice %arg2[%mul3A_388] : memref<8388608xf32, #tpu.memory_space<hbm>> -> memref<16384xf32, #tpu.memory_space<hbm>>
    tpu.wait_dma2 semaphore(%arg14 : memref<!tpu.dma_semaphore, #tpu.memory_space<semaphore_mem>>) src(%dma_wait3A_390 : memref<16384xf32, #tpu.memory_space<hbm>>) dst(%arg8 : memref<16384xf32, #tpu.memory_space<vmem>>)
    %add3A_391 = arith.constant 2048 : i32
    %add3A_392 = arith.addi %add3A_391, %add3A : i32
    %add3A_393 = arith.constant 32 : i32
    %add3A_394 = arith.addi %add3A_392, %add3A_393 : i32
    %mul3A_395 = arith.constant 1024 : i32
    %mul3A_396 = arith.muli %add3A_394, %mul3A_395 : i32
    %dma_wait3A_397 = tpu.memref_slice %arg4[%mul3A_396] : memref<8388608xf32, #tpu.memory_space<hbm>> -> memref<16384xf32, #tpu.memory_space<hbm>>
    %dma_wait3A_398 = tpu.memref_slice %arg4[%mul3A_396] : memref<8388608xf32, #tpu.memory_space<hbm>> -> memref<16384xf32, #tpu.memory_space<hbm>>
    tpu.wait_dma2 semaphore(%arg16 : memref<!tpu.dma_semaphore, #tpu.memory_space<semaphore_mem>>) src(%arg8 : memref<16384xf32, #tpu.memory_space<vmem>>) dst(%dma_wait3A_398 : memref<16384xf32, #tpu.memory_space<hbm>>)
    %add3A_399 = arith.constant 6144 : i32
    %add3A_400 = arith.addi %add3A_399, %add3A : i32
    %add3A_401 = arith.constant 32 : i32
    %add3A_402 = arith.addi %add3A_400, %add3A_401 : i32
    %mul3A_403 = arith.constant 1024 : i32
    %mul3A_404 = arith.muli %add3A_402, %mul3A_403 : i32
    %dma_start3A_405 = tpu.memref_slice %arg4[%mul3A_404] : memref<8388608xf32, #tpu.memory_space<hbm>> -> memref<16384xf32, #tpu.memory_space<hbm>>
    %dma_start3A_406 = tpu.memref_slice %arg4[%mul3A_404] : memref<8388608xf32, #tpu.memory_space<hbm>> -> memref<16384xf32, #tpu.memory_space<hbm>>
    tpu.enqueue_dma source(%arg8 : memref<16384xf32, #tpu.memory_space<vmem>>) target(%dma_start3A_406 : memref<16384xf32, #tpu.memory_space<hbm>>) target_semaphore(%arg16 : memref<!tpu.dma_semaphore, #tpu.memory_space<semaphore_mem>>)
    %add3A_407 = arith.constant 2048 : i32
    %add3A_408 = arith.addi %add3A_407, %add3A : i32
    %add3A_409 = arith.constant 48 : i32
    %add3A_410 = arith.addi %add3A_408, %add3A_409 : i32
    %mul3A_411 = arith.constant 1024 : i32
    %mul3A_412 = arith.muli %add3A_410, %mul3A_411 : i32
    %dma_start3A_413 = tpu.memref_slice %arg2[%mul3A_412] : memref<8388608xf32, #tpu.memory_space<hbm>> -> memref<16384xf32, #tpu.memory_space<hbm>>
    %dma_start3A_414 = tpu.memref_slice %arg2[%mul3A_412] : memref<8388608xf32, #tpu.memory_space<hbm>> -> memref<16384xf32, #tpu.memory_space<hbm>>
    tpu.enqueue_dma source(%dma_start3A_414 : memref<16384xf32, #tpu.memory_space<hbm>>) target(%arg8 : memref<16384xf32, #tpu.memory_space<vmem>>) target_semaphore(%arg14 : memref<!tpu.dma_semaphore, #tpu.memory_space<semaphore_mem>>)
    %add3A_415 = arith.constant 49152 : i32
    %add3A_416 = arith.addi %mul3A_4, %add3A_415 : i32
    %dma_wait3A_417 = tpu.memref_slice %arg3[%add3A_416] : memref<8388608xf32, #tpu.memory_space<hbm>> -> memref<16384xf32, #tpu.memory_space<hbm>>
    %dma_wait3A_418 = tpu.memref_slice %arg3[%add3A_416] : memref<8388608xf32, #tpu.memory_space<hbm>> -> memref<16384xf32, #tpu.memory_space<hbm>>
    tpu.wait_dma2 semaphore(%arg12 : memref<!tpu.dma_semaphore, #tpu.memory_space<semaphore_mem>>) src(%dma_wait3A_418 : memref<16384xf32, #tpu.memory_space<hbm>>) dst(%arg6 : memref<16384xf32, #tpu.memory_space<vmem>>)
    %add3A_419 = arith.constant 0 : i32
    %add3A_420 = arith.addi %add3A_419, %add3A : i32
    %add3A_421 = arith.constant 48 : i32
    %add3A_422 = arith.addi %add3A_420, %add3A_421 : i32
    %mul3A_423 = arith.constant 1024 : i32
    %mul3A_424 = arith.muli %add3A_422, %mul3A_423 : i32
    %dma_wait3A_425 = tpu.memref_slice %arg2[%mul3A_424] : memref<8388608xf32, #tpu.memory_space<hbm>> -> memref<16384xf32, #tpu.memory_space<hbm>>
    %dma_wait3A_426 = tpu.memref_slice %arg2[%mul3A_424] : memref<8388608xf32, #tpu.memory_space<hbm>> -> memref<16384xf32, #tpu.memory_space<hbm>>
    tpu.wait_dma2 semaphore(%arg13 : memref<!tpu.dma_semaphore, #tpu.memory_space<semaphore_mem>>) src(%dma_wait3A_426 : memref<16384xf32, #tpu.memory_space<hbm>>) dst(%arg7 : memref<16384xf32, #tpu.memory_space<vmem>>)
    %add3A_427 = arith.constant 4096 : i32
    %add3A_428 = arith.addi %add3A_427, %add3A : i32
    %add3A_429 = arith.constant 32 : i32
    %add3A_430 = arith.addi %add3A_428, %add3A_429 : i32
    %mul3A_431 = arith.constant 1024 : i32
    %mul3A_432 = arith.muli %add3A_430, %mul3A_431 : i32
    %dma_wait3A_433 = tpu.memref_slice %arg4[%mul3A_432] : memref<8388608xf32, #tpu.memory_space<hbm>> -> memref<16384xf32, #tpu.memory_space<hbm>>
    %dma_wait3A_434 = tpu.memref_slice %arg4[%mul3A_432] : memref<8388608xf32, #tpu.memory_space<hbm>> -> memref<16384xf32, #tpu.memory_space<hbm>>
    tpu.wait_dma2 semaphore(%arg15 : memref<!tpu.dma_semaphore, #tpu.memory_space<semaphore_mem>>) src(%arg7 : memref<16384xf32, #tpu.memory_space<vmem>>) dst(%dma_wait3A_434 : memref<16384xf32, #tpu.memory_space<hbm>>)
    %add3A_435 = arith.constant 0 : i32
    %add3A_436 = arith.addi %add3A_435, %add3A : i32
    %add3A_437 = arith.constant 48 : i32
    %add3A_438 = arith.addi %add3A_436, %add3A_437 : i32
    %mul3A_439 = arith.constant 1024 : i32
    %mul3A_440 = arith.muli %add3A_438, %mul3A_439 : i32
    %dma_start3A_441 = tpu.memref_slice %arg4[%mul3A_440] : memref<8388608xf32, #tpu.memory_space<hbm>> -> memref<16384xf32, #tpu.memory_space<hbm>>
    %dma_start3A_442 = tpu.memref_slice %arg4[%mul3A_440] : memref<8388608xf32, #tpu.memory_space<hbm>> -> memref<16384xf32, #tpu.memory_space<hbm>>
    tpu.enqueue_dma source(%arg7 : memref<16384xf32, #tpu.memory_space<vmem>>) target(%dma_start3A_442 : memref<16384xf32, #tpu.memory_space<hbm>>) target_semaphore(%arg15 : memref<!tpu.dma_semaphore, #tpu.memory_space<semaphore_mem>>)
    %add3A_443 = arith.constant 4096 : i32
    %add3A_444 = arith.addi %add3A_443, %add3A : i32
    %add3A_445 = arith.constant 48 : i32
    %add3A_446 = arith.addi %add3A_444, %add3A_445 : i32
    %mul3A_447 = arith.constant 1024 : i32
    %mul3A_448 = arith.muli %add3A_446, %mul3A_447 : i32
    %dma_start3A_449 = tpu.memref_slice %arg2[%mul3A_448] : memref<8388608xf32, #tpu.memory_space<hbm>> -> memref<16384xf32, #tpu.memory_space<hbm>>
    %dma_start3A_450 = tpu.memref_slice %arg2[%mul3A_448] : memref<8388608xf32, #tpu.memory_space<hbm>> -> memref<16384xf32, #tpu.memory_space<hbm>>
    tpu.enqueue_dma source(%dma_start3A_450 : memref<16384xf32, #tpu.memory_space<hbm>>) target(%arg7 : memref<16384xf32, #tpu.memory_space<vmem>>) target_semaphore(%arg13 : memref<!tpu.dma_semaphore, #tpu.memory_space<semaphore_mem>>)
    %add3A_451 = arith.constant 2048 : i32
    %add3A_452 = arith.addi %add3A_451, %add3A : i32
    %add3A_453 = arith.constant 48 : i32
    %add3A_454 = arith.addi %add3A_452, %add3A_453 : i32
    %mul3A_455 = arith.constant 1024 : i32
    %mul3A_456 = arith.muli %add3A_454, %mul3A_455 : i32
    %dma_wait3A_457 = tpu.memref_slice %arg2[%mul3A_456] : memref<8388608xf32, #tpu.memory_space<hbm>> -> memref<16384xf32, #tpu.memory_space<hbm>>
    %dma_wait3A_458 = tpu.memref_slice %arg2[%mul3A_456] : memref<8388608xf32, #tpu.memory_space<hbm>> -> memref<16384xf32, #tpu.memory_space<hbm>>
    tpu.wait_dma2 semaphore(%arg14 : memref<!tpu.dma_semaphore, #tpu.memory_space<semaphore_mem>>) src(%dma_wait3A_458 : memref<16384xf32, #tpu.memory_space<hbm>>) dst(%arg8 : memref<16384xf32, #tpu.memory_space<vmem>>)
    %add3A_459 = arith.constant 6144 : i32
    %add3A_460 = arith.addi %add3A_459, %add3A : i32
    %add3A_461 = arith.constant 32 : i32
    %add3A_462 = arith.addi %add3A_460, %add3A_461 : i32
    %mul3A_463 = arith.constant 1024 : i32
    %mul3A_464 = arith.muli %add3A_462, %mul3A_463 : i32
    %dma_wait3A_465 = tpu.memref_slice %arg4[%mul3A_464] : memref<8388608xf32, #tpu.memory_space<hbm>> -> memref<16384xf32, #tpu.memory_space<hbm>>
    %dma_wait3A_466 = tpu.memref_slice %arg4[%mul3A_464] : memref<8388608xf32, #tpu.memory_space<hbm>> -> memref<16384xf32, #tpu.memory_space<hbm>>
    tpu.wait_dma2 semaphore(%arg16 : memref<!tpu.dma_semaphore, #tpu.memory_space<semaphore_mem>>) src(%arg8 : memref<16384xf32, #tpu.memory_space<vmem>>) dst(%dma_wait3A_466 : memref<16384xf32, #tpu.memory_space<hbm>>)
    %add3A_467 = arith.constant 2048 : i32
    %add3A_468 = arith.addi %add3A_467, %add3A : i32
    %add3A_469 = arith.constant 48 : i32
    %add3A_470 = arith.addi %add3A_468, %add3A_469 : i32
    %mul3A_471 = arith.constant 1024 : i32
    %mul3A_472 = arith.muli %add3A_470, %mul3A_471 : i32
    %dma_start3A_473 = tpu.memref_slice %arg4[%mul3A_472] : memref<8388608xf32, #tpu.memory_space<hbm>> -> memref<16384xf32, #tpu.memory_space<hbm>>
    %dma_start3A_474 = tpu.memref_slice %arg4[%mul3A_472] : memref<8388608xf32, #tpu.memory_space<hbm>> -> memref<16384xf32, #tpu.memory_space<hbm>>
    tpu.enqueue_dma source(%arg8 : memref<16384xf32, #tpu.memory_space<vmem>>) target(%dma_start3A_474 : memref<16384xf32, #tpu.memory_space<hbm>>) target_semaphore(%arg16 : memref<!tpu.dma_semaphore, #tpu.memory_space<semaphore_mem>>)
    %add3A_475 = arith.constant 6144 : i32
    %add3A_476 = arith.addi %add3A_475, %add3A : i32
    %add3A_477 = arith.constant 48 : i32
    %add3A_478 = arith.addi %add3A_476, %add3A_477 : i32
    %mul3A_479 = arith.constant 1024 : i32
    %mul3A_480 = arith.muli %add3A_478, %mul3A_479 : i32
    %dma_start3A_481 = tpu.memref_slice %arg2[%mul3A_480] : memref<8388608xf32, #tpu.memory_space<hbm>> -> memref<16384xf32, #tpu.memory_space<hbm>>
    %dma_start3A_482 = tpu.memref_slice %arg2[%mul3A_480] : memref<8388608xf32, #tpu.memory_space<hbm>> -> memref<16384xf32, #tpu.memory_space<hbm>>
    tpu.enqueue_dma source(%dma_start3A_482 : memref<16384xf32, #tpu.memory_space<hbm>>) target(%arg8 : memref<16384xf32, #tpu.memory_space<vmem>>) target_semaphore(%arg14 : memref<!tpu.dma_semaphore, #tpu.memory_space<semaphore_mem>>)
    %add3A_483 = arith.constant 4096 : i32
    %add3A_484 = arith.addi %add3A_483, %add3A : i32
    %add3A_485 = arith.constant 48 : i32
    %add3A_486 = arith.addi %add3A_484, %add3A_485 : i32
    %mul3A_487 = arith.constant 1024 : i32
    %mul3A_488 = arith.muli %add3A_486, %mul3A_487 : i32
    %dma_wait3A_489 = tpu.memref_slice %arg2[%mul3A_488] : memref<8388608xf32, #tpu.memory_space<hbm>> -> memref<16384xf32, #tpu.memory_space<hbm>>
    %dma_wait3A_490 = tpu.memref_slice %arg2[%mul3A_488] : memref<8388608xf32, #tpu.memory_space<hbm>> -> memref<16384xf32, #tpu.memory_space<hbm>>
    tpu.wait_dma2 semaphore(%arg13 : memref<!tpu.dma_semaphore, #tpu.memory_space<semaphore_mem>>) src(%dma_wait3A_490 : memref<16384xf32, #tpu.memory_space<hbm>>) dst(%arg7 : memref<16384xf32, #tpu.memory_space<vmem>>)
    %add3A_491 = arith.constant 0 : i32
    %add3A_492 = arith.addi %add3A_491, %add3A : i32
    %add3A_493 = arith.constant 48 : i32
    %add3A_494 = arith.addi %add3A_492, %add3A_493 : i32
    %mul3A_495 = arith.constant 1024 : i32
    %mul3A_496 = arith.muli %add3A_494, %mul3A_495 : i32
    %dma_wait3A_497 = tpu.memref_slice %arg4[%mul3A_496] : memref<8388608xf32, #tpu.memory_space<hbm>> -> memref<16384xf32, #tpu.memory_space<hbm>>
    %dma_wait3A_498 = tpu.memref_slice %arg4[%mul3A_496] : memref<8388608xf32, #tpu.memory_space<hbm>> -> memref<16384xf32, #tpu.memory_space<hbm>>
    tpu.wait_dma2 semaphore(%arg15 : memref<!tpu.dma_semaphore, #tpu.memory_space<semaphore_mem>>) src(%arg7 : memref<16384xf32, #tpu.memory_space<vmem>>) dst(%dma_wait3A_498 : memref<16384xf32, #tpu.memory_space<hbm>>)
    %add3A_499 = arith.constant 4096 : i32
    %add3A_500 = arith.addi %add3A_499, %add3A : i32
    %add3A_501 = arith.constant 48 : i32
    %add3A_502 = arith.addi %add3A_500, %add3A_501 : i32
    %mul3A_503 = arith.constant 1024 : i32
    %mul3A_504 = arith.muli %add3A_502, %mul3A_503 : i32
    %dma_start3A_505 = tpu.memref_slice %arg4[%mul3A_504] : memref<8388608xf32, #tpu.memory_space<hbm>> -> memref<16384xf32, #tpu.memory_space<hbm>>
    %dma_start3A_506 = tpu.memref_slice %arg4[%mul3A_504] : memref<8388608xf32, #tpu.memory_space<hbm>> -> memref<16384xf32, #tpu.memory_space<hbm>>
    tpu.enqueue_dma source(%arg7 : memref<16384xf32, #tpu.memory_space<vmem>>) target(%dma_start3A_506 : memref<16384xf32, #tpu.memory_space<hbm>>) target_semaphore(%arg15 : memref<!tpu.dma_semaphore, #tpu.memory_space<semaphore_mem>>)
    %add3A_507 = arith.constant 6144 : i32
    %add3A_508 = arith.addi %add3A_507, %add3A : i32
    %add3A_509 = arith.constant 48 : i32
    %add3A_510 = arith.addi %add3A_508, %add3A_509 : i32
    %mul3A_511 = arith.constant 1024 : i32
    %mul3A_512 = arith.muli %add3A_510, %mul3A_511 : i32
    %dma_wait3A_513 = tpu.memref_slice %arg2[%mul3A_512] : memref<8388608xf32, #tpu.memory_space<hbm>> -> memref<16384xf32, #tpu.memory_space<hbm>>
    %dma_wait3A_514 = tpu.memref_slice %arg2[%mul3A_512] : memref<8388608xf32, #tpu.memory_space<hbm>> -> memref<16384xf32, #tpu.memory_space<hbm>>
    tpu.wait_dma2 semaphore(%arg14 : memref<!tpu.dma_semaphore, #tpu.memory_space<semaphore_mem>>) src(%dma_wait3A_514 : memref<16384xf32, #tpu.memory_space<hbm>>) dst(%arg8 : memref<16384xf32, #tpu.memory_space<vmem>>)
    %add3A_515 = arith.constant 2048 : i32
    %add3A_516 = arith.addi %add3A_515, %add3A : i32
    %add3A_517 = arith.constant 48 : i32
    %add3A_518 = arith.addi %add3A_516, %add3A_517 : i32
    %mul3A_519 = arith.constant 1024 : i32
    %mul3A_520 = arith.muli %add3A_518, %mul3A_519 : i32
    %dma_wait3A_521 = tpu.memref_slice %arg4[%mul3A_520] : memref<8388608xf32, #tpu.memory_space<hbm>> -> memref<16384xf32, #tpu.memory_space<hbm>>
    %dma_wait3A_522 = tpu.memref_slice %arg4[%mul3A_520] : memref<8388608xf32, #tpu.memory_space<hbm>> -> memref<16384xf32, #tpu.memory_space<hbm>>
    tpu.wait_dma2 semaphore(%arg16 : memref<!tpu.dma_semaphore, #tpu.memory_space<semaphore_mem>>) src(%arg8 : memref<16384xf32, #tpu.memory_space<vmem>>) dst(%dma_wait3A_522 : memref<16384xf32, #tpu.memory_space<hbm>>)
    %add3A_523 = arith.constant 6144 : i32
    %add3A_524 = arith.addi %add3A_523, %add3A : i32
    %add3A_525 = arith.constant 48 : i32
    %add3A_526 = arith.addi %add3A_524, %add3A_525 : i32
    %mul3A_527 = arith.constant 1024 : i32
    %mul3A_528 = arith.muli %add3A_526, %mul3A_527 : i32
    %dma_start3A_529 = tpu.memref_slice %arg4[%mul3A_528] : memref<8388608xf32, #tpu.memory_space<hbm>> -> memref<16384xf32, #tpu.memory_space<hbm>>
    %dma_start3A_530 = tpu.memref_slice %arg4[%mul3A_528] : memref<8388608xf32, #tpu.memory_space<hbm>> -> memref<16384xf32, #tpu.memory_space<hbm>>
    tpu.enqueue_dma source(%arg8 : memref<16384xf32, #tpu.memory_space<vmem>>) target(%dma_start3A_530 : memref<16384xf32, #tpu.memory_space<hbm>>) target_semaphore(%arg16 : memref<!tpu.dma_semaphore, #tpu.memory_space<semaphore_mem>>)
    %add3A_531 = arith.constant 4096 : i32
    %add3A_532 = arith.addi %add3A_531, %add3A : i32
    %add3A_533 = arith.constant 48 : i32
    %add3A_534 = arith.addi %add3A_532, %add3A_533 : i32
    %mul3A_535 = arith.constant 1024 : i32
    %mul3A_536 = arith.muli %add3A_534, %mul3A_535 : i32
    %dma_wait3A_537 = tpu.memref_slice %arg4[%mul3A_536] : memref<8388608xf32, #tpu.memory_space<hbm>> -> memref<16384xf32, #tpu.memory_space<hbm>>
    %dma_wait3A_538 = tpu.memref_slice %arg4[%mul3A_536] : memref<8388608xf32, #tpu.memory_space<hbm>> -> memref<16384xf32, #tpu.memory_space<hbm>>
    tpu.wait_dma2 semaphore(%arg15 : memref<!tpu.dma_semaphore, #tpu.memory_space<semaphore_mem>>) src(%arg7 : memref<16384xf32, #tpu.memory_space<vmem>>) dst(%dma_wait3A_538 : memref<16384xf32, #tpu.memory_space<hbm>>)
    %add3A_539 = arith.constant 6144 : i32
    %add3A_540 = arith.addi %add3A_539, %add3A : i32
    %add3A_541 = arith.constant 48 : i32
    %add3A_542 = arith.addi %add3A_540, %add3A_541 : i32
    %mul3A_543 = arith.constant 1024 : i32
    %mul3A_544 = arith.muli %add3A_542, %mul3A_543 : i32
    %dma_wait3A_545 = tpu.memref_slice %arg4[%mul3A_544] : memref<8388608xf32, #tpu.memory_space<hbm>> -> memref<16384xf32, #tpu.memory_space<hbm>>
    %dma_wait3A_546 = tpu.memref_slice %arg4[%mul3A_544] : memref<8388608xf32, #tpu.memory_space<hbm>> -> memref<16384xf32, #tpu.memory_space<hbm>>
    tpu.wait_dma2 semaphore(%arg16 : memref<!tpu.dma_semaphore, #tpu.memory_space<semaphore_mem>>) src(%arg8 : memref<16384xf32, #tpu.memory_space<vmem>>) dst(%dma_wait3A_546 : memref<16384xf32, #tpu.memory_space<hbm>>)
    return
  }
}

</mosaic_0001>

<sc_bundles>
// kernel: _run.3.cloned.1.call-start
scs
__scs_entry_jumppad:
0x0: {  	(pc) =	sbr.rel $0x88, $3  }
0x1: {  	(tag) =	ssettag $0x0;
	lr =	simm.s32 $0x1  }
0x2: {  	[smem:$0x3F9F] =	sst lr;
	_ =	strace $0xD0000000  }
0x3: {  	_ = 	snop  }
0x4: {  	_ = 	snop  }
0x5: {  	_ = 	snop  }
0x6: {  	_ = 	snop  }
0x7: {  	_ = 	snop  }
__scs_overlays_trampoline_lowered:
0x8: {  	[smem:$0x3FAE] =	sst s0  }
0x9: {  	[smem:$0x3FAF] =	sst s1  }
0xa: {  	[smem:$0x3FB0] =	sst s2  }
0xb: {  	[smem:$0x3FB1] =	sst s3  }
0xc: {  	[smem:$0x3FB2] =	sst s4  }
0xd: {  	[smem:$0x3FB3] =	sst s5  }
0xe: {  	[smem:$0x3FB4] =	sst s6  }
0xf: {  	[smem:$0x3FB5] =	sst s7  }
0x10: {  	[smem:$0x3FB6] =	sst s8  }
0x11: {  	[smem:$0x3FB7] =	sst s9;
	s0 =	simm.s32 @!p0 $0x0  }
0x12: {  	s1 =	sld [smem:$0x3F9D];
	s0 =	simm.s32 @p0 $0x1  }
0x13: {  	[smem:$0x3FB8] =	sst s0;
	s0 =	simm.s32 @!p1 $0x0  }
0x14: {  	s2 =	sld [smem:$0x3F9C];
	s0 =	simm.s32 @p1 $0x1  }
0x15: {  	[smem:$0x3FB9] =	sst s0;
	s0 =	simm.s32 @!p2 $0x0  }
0x16: {  	s3 =	sld [smem:$0x3FDB];
	s0 =	simm.s32 @p2 $0x1  }
0x17: {  	s4 =	simm.s32 $0x1BF5;
	[smem:$0x3FBB] =	sst s0  }
0x18: {  	s0 =	sld [smem:$0x3F9E];
	_ =	swait.ge [sflag:s4], $0x0  }
0x19: {  	s7 =	sld [smem:$0x3F9F]  }
0x1a: {  	s8 =	sadd.s32 $0xFFFFE003, lr  }
0x1b: {  	s9 =	sadd.s32 $0xFFFFFEF7, lr;
	s5 =	simm.s32 $0xFFFFFFFF;
	p2 =	slt.u32 s8, $0xFFFFF086  }
0x1c: {  	p1 =	slt.u32 s9, $0xF7A;
	s5 =	simm.s32 @!p2 $0x0  }
0x1d: {  	s5 =	simm.s32 @p1 $0x1;
	p0 =	seq.s32 s7, s2  }
0x1e: {  	s7 =	smul.u32 @!p0 $0xF7A, s2;
	p2 =	seq.s32 @!p0 s5, $0x0  }
0x1f: {  	s9 =	smul.u32 $0xF7A, s1;
	s8 =	simm.s32 @!p0 $0x1BF5;
	p2 =	por !p2, p0  }
0x20: {  	[sflag:s8] =	ssyncset.s32 @!p0 $0xFFFFF086;
	s6 =	sadd.s32 @!p0 s3, s7;
	s7 =	simm.s32 @!p0 $0x108  }
0x21: {  	s3 =	sadd.s32 s3, s9;
	s6 =	sadd.s32 @!p0 $0x88, s6;
	s7 =	simm.s32 @p2 $0x1082  }
0x22: {  	[simem:s7], [sflag:s8] =	dma.local @!p0 [hbm:s6], $0xF7A  }
0x23: {  	s9 =	sor.u32 $0xD0000000, s2;
	s6 =	simm.s32 $0x108;
	_ =	swait.ge @!p0 [sflag:s8], $0x0  }
0x24: {  	s3 =	sadd.s32 $0x88, s3;
	s6 =	simm.s32 @!p1 $0x1082;
	[sflag:s4] =	ssyncset.s32 $0xFFFFF086  }
0x25: {  	[simem:s6], [sflag:s4] =	dma.local [hbm:s3], $0xF7A  }
0x26: {  	[smem:$0x3F9F] =	sst s1;
	(tag) =	ssettag s2;
	_ =	strace s9  }
0x27: {  	s1 =	sld [smem:$0x3FAF]  }
0x28: {  	s2 =	sld [smem:$0x3FB0]  }
0x29: {  	s4 =	sld [smem:$0x3FB2]  }
0x2a: {  	p0 =	seq.s32 s5, $0x0;
	s5 =	sld [smem:$0x3FB3]  }
0x2b: {  	s6 =	sld [smem:$0x3FB4]  }
0x2c: {  	s7 =	sld [smem:$0x3FB5]  }
0x2d: {  	s3 =	simm.s32 $0x108;
	s8 =	sld [smem:$0x3FB6]  }
0x2e: {  	s3 =	simm.s32 @!p0 $0x1082;
	s9 =	sld [smem:$0x3FB7]  }
0x2f: {  	lr =	sadd.s32 s0, s3;
	s0 =	sld [smem:$0x3FAE]  }
0x30: {  	s3 =	sld [smem:$0x3FB1]  }
0x31: {  	[smem:$0x3FBA] =	sst s10  }
0x32: {  	s10 =	sld [smem:$0x3FB8];
	_ =	sdelay $0x3  }
0x33: {  	p0 =	seq.s32 s10, $0x1;
	s10 =	sld [smem:$0x3FBA];
	_ =	sdelay $0x3  }
0x34: {  	[smem:$0x3FBA] =	sst s10  }
0x35: {  	s10 =	sld [smem:$0x3FB9];
	_ =	sdelay $0x3  }
0x36: {  	p1 =	seq.s32 s10, $0x1;
	s10 =	sld [smem:$0x3FBA];
	_ =	sdelay $0x3  }
0x37: {  	[smem:$0x3FBA] =	sst s10  }
0x38: {  	s10 =	sld [smem:$0x3FBB]  }
0x39: {  	_ = 	snop;
	(pc) =	sbr.ind lr, $3  }
0x3a: {  	_ = 	snop  }
0x3b: {  	_ = 	snop  }
0x3c: {  	p2 =	seq.s32 s10, $0x1;
	s10 =	sld [smem:$0x3FBA]  }
0x3d: {  	_ =	shalt  }
0x3e: {  	_ =	shalt  }
0x3f: {  	_ =	shalt  }
0x40: {  	_ =	shalt  }
0x41: {  	_ =	shalt  }
0x42: {  	_ =	shalt  }
0x43: {  	_ =	shalt  }
0x44: {  	_ =	shalt  }
0x45: {  	_ =	shalt  }
0x46: {  	_ =	shalt  }
0x47: {  	_ =	shalt  }
0x48: {  	_ =	shalt  }
0x49: {  	_ =	shalt  }
0x4a: {  	_ =	shalt  }
0x4b: {  	_ =	shalt  }
0x4c: {  	_ =	shalt  }
0x4d: {  	_ =	shalt  }
0x4e: {  	_ =	shalt  }
0x4f: {  	_ =	shalt  }
0x50: {  	_ =	shalt  }
0x51: {  	_ =	shalt  }
0x52: {  	_ =	shalt  }
0x53: {  	_ =	shalt  }
0x54: {  	_ =	shalt  }
0x55: {  	_ =	shalt  }
0x56: {  	_ =	shalt  }
0x57: {  	_ =	shalt  }
0x58: {  	_ =	shalt  }
0x59: {  	_ =	shalt  }
0x5a: {  	_ =	shalt  }
0x5b: {  	_ =	shalt  }
0x5c: {  	_ =	shalt  }
0x5d: {  	_ =	shalt  }
0x5e: {  	_ =	shalt  }
0x5f: {  	_ =	shalt  }
0x60: {  	_ =	shalt  }
0x61: {  	_ =	shalt  }
0x62: {  	_ =	shalt  }
0x63: {  	_ =	shalt  }
0x64: {  	_ =	shalt  }
0x65: {  	_ =	shalt  }
0x66: {  	_ =	shalt  }
0x67: {  	_ =	shalt  }
0x68: {  	_ =	shalt  }
0x69: {  	_ =	shalt  }
0x6a: {  	_ =	shalt  }
0x6b: {  	_ =	shalt  }
0x6c: {  	_ =	shalt  }
0x6d: {  	_ =	shalt  }
0x6e: {  	_ =	shalt  }
0x6f: {  	_ =	shalt  }
0x70: {  	_ =	shalt  }
0x71: {  	_ =	shalt  }
0x72: {  	_ =	shalt  }
0x73: {  	_ =	shalt  }
0x74: {  	_ =	shalt  }
0x75: {  	_ =	shalt  }
0x76: {  	_ =	shalt  }
0x77: {  	_ =	shalt  }
0x78: {  	_ =	shalt  }
0x79: {  	_ =	shalt  }
0x7a: {  	_ =	shalt  }
0x7b: {  	_ =	shalt  }
0x7c: {  	_ =	shalt  }
0x7d: {  	_ =	shalt  }
0x7e: {  	_ =	shalt  }
0x7f: {  	_ =	shalt  }
0x80: {  	_ =	shalt  }
0x81: {  	_ =	shalt  }
0x82: {  	_ =	shalt  }
0x83: {  	_ =	shalt  }
0x84: {  	_ =	shalt  }
0x85: {  	_ =	shalt  }
0x86: {  	_ =	shalt  }
0x87: {  	_ =	shalt  }
.Lfunc_end0:
.L_simem_size_0:
called_computation_lowered:
.L_overlay_start_0:
0x88: {  	s2 =	sld [smem:$0x3FD9]  }
0x89: {  	s3 =	sld [smem:$0x3FFE];
	_ =	sdelay $0x1  }
0x8a: {  	s1 =	srdreg.scid  }
0x8b: {  	s0 =	sand.u32 $0x1, s1  }
0x8c: {  	s18 =	sshll.u32 s0, $0xA;
	s2 =	sadd.s32 s3, s2  }
0x8d: {  	s2 =	sadd.s32 s2, s18  }
0x8e: {  	[smem:$0x3FC6] =	sst s2  }
0x8f: {  	_ = 	snop  }
0x90: {  	s2 =	sld [smem:$0x3FC9]  }
0x91: {  	s19 =	sld [smem:$0x3FC8]  }
0x92: {  	s4 =	sld [smem:$0x3FD0];
	(tm) =	ssettm $0x1  }
0x93: {  	s5 =	sld [smem:$0x3FFB];
	_ =	sdelay $0x3  }
0x94: {  	_ =	strace s5  }
0x95: {  	s5 =	sld [smem:$0x3FFC];
	_ =	sdelay $0x3  }
0x96: {  	_ =	strace s5  }
0x97: {  	s5 =	sld [smem:$0x3FFD];
	_ =	sdelay $0x3  }
0x98: {  	_ =	strace s5  }
0x99: {  	_ =	strace $0x8FFFFFFF  }
0x9a: {  	s20 =	sld [smem:$0x3FDB];
	_ =	sdelay $0x1  }
0x9b: {  	s6 =	simm.s32 $_scs_section_size  }
0x9c: {  	s7 =	simm.s32 $_size__tile_overlayer_lowered;
	s8 =	simm.s32 $_tile_overlayer_lowered  }
0x9d: {  	s23 =	simm.s32 $0x1BFF;
	s22 =	sshll.u32 s8, $0x1;
	s5 =	sadd.s32 s6, s20  }
0x9e: {  	s9 =	simm.s32 $0x0;
	s21 =	sshll.u32 s7, $0x1;
	s7 =	sadd.s32 s22, s5  }
0x9f: {  	[timem:s9], [sflag:s23] =	dma.local [hbm:s7], s21  }
0xa0: {  	_ =	swait.ge [sflag:s23], s21  }
0xa1: {  	s6 =	ssub.s32 $0x0, s21;
	[sflag:s23] =	ssyncset.done $0x0  }
0xa2: {  	[sflag:s23] =	ssyncadd.s32 s6;
	_ =	sdelay $0x1  }
0xa3: {  	s24 =	simm.s32 $0x1B8B  }
0xa4: {  	_ =	swait.ge [sflag:s24], $0x1  }
0xa5: {  	[sflag:s24] =	ssyncset.done $0x0  }
0xa6: {  	s25 =	simm.s32 $0x1B8E;
	[sflag:s24] =	ssyncadd.s32 $0xFFFFFFFF  }
0xa7: {  	s26 =	simm.s32 $execute0_lowered;
	[smem:$0x3FD2] =	sst s25  }
0xa8: {  	s6 =	sshll.u32 s26, $0x1;
	_ =	strace $0x80000046;
	[dreg:$0x1] =	wrdreg $0xFFFFFFFF  }
0xa9: {  	s28 =	simm.s32 $_size_execute0_lowered;
	s5 =	sadd.s32 s5, s6;
	[dreg:$0x0] =	wrdreg $0x0  }
0xaa: {  	s6 =	sshll.u32 s28, $0x1;
	[dreg:$0x2] =	wrdreg s5  }
0xab: {  	[dreg:$0x3] =	wrdreg s6  }
0xac: {  	[dreg:$0x4] =	wrdreg $0xC0  }
0xad: {  	_ =	task [dreg:s9], $0x5FFFF  }
0xae: {  	[dreg:$0x1] =	wrdreg $0xFFFFFFFF  }
0xaf: {  	[dreg:$0x0] =	wrdreg $0x60  }
0xb0: {  	[dreg:$0x2] =	wrdreg s2  }
0xb1: {  	[dreg:$0x3] =	wrdreg s19  }
0xb2: {  	[dreg:$0x4] =	wrdreg s4  }
0xb3: {  	[dreg:$0x5] =	wrdreg $0x9  }
0xb4: {  	_ =	task.clear_ibuf [dreg:s9], $0x6FFFF;
	_ =	strace $0x90000046  }
0xb5: {  	s29 =	simm.s32 $0x9;
	_ =	strace $0x80000048  }
0xb6: {  	_ =	swait.ge [sflag:s29], $0x1  }
0xb7: {  	[sflag:s29] =	ssyncadd.s32 $0xFFFFFFFF  }
0xb8: {  	_ =	strace $0x90000048  }
0xb9: {  	_ =	sfence  }
0xba: {  	s30 =	sld [smem:$0x0];
	_ =	sdelay $0x2  }
0xbb: {  	s31 =	sshll.u32 s1, $0xD;
	s1 =	sshrl.u32 s1, $0x2  }
0xbc: {  	s3 =	sand.u32 $0x4000, s31;
	s1 =	sadd.s32 s1, s30  }
0xbd: {  	s0 =	sor.u32 s3, s0;
	s1 =	sshll.u32 s1, $0x11  }
0xbe: {  	s0 =	sor.u32 s1, s0  }
0xbf: {  	s0 =	sadd.s32 $0x8F2B, s0  }
0xc0: {  	[sflag:s0] =	ssyncadd.remote.s32 $0x1  }
0xc1: {  	_ =	sfence.sel $0xFFFF  }
0xc2: {  	[dreg:$0x0] =	wrdreg $0xFFFFFFFF;
	(pc) =	sbr.abs _section_cstart, $3  }
0xc3: {  	[dreg:$0x1] =	wrdreg $0xFFFFFFFF  }
0xc4: {  	_ =	task.clear_ibuf [dreg:s9], $0x2FFFF;
	_ =	strace $0x9FFFFFFF  }
0xc5: {  	(tm) =	ssettm $0x7FFFFFFF  }
tec
execute0_lowered:
.L_overlay_start_1:
0x0: {  	(tag) =	ssettag $0x1  }
0x1: {  	s1 =	rddreg [dreg:$0x0];
	s2 =	srdreg.scid  }
0x2: {  	s5 =	rddreg [dreg:$0x1];
	s0 =	stileid.u32  }
0x3: {  	s3 =	rddreg [dreg:$0x2];
	s29 =	simm.s32 $0x4000;
	s6 =	sand.u32 $0x1, s2  }
0x4: {  	s7 =	sshll.u32 s0, $0xD;
	s2 =	simm.s32 $0x0;
	s4 =	sshll.u32 s6, $0x11  }
0x5: {  	p0 =	por $0x0, $0x0;
	[smem:$0x7FF] =	sst s2;
	s4 =	sor.u32 s7, s4  }
0x6: {  	s30 =	simm.s32 $0x1;
	_ =	strace $0x80000047;
	s21 =	sadd.s32 s1, s4  }
0x7: {  	s31 =	sadd.s32 s5, s4;
	s23 =	sadd.s32 s3, s4;
	[dreg:$0x5] =	wrdreg s21  }
0x8: {  	s7 =	sor.u32 $0x40000, s4;
	s5 =	sadd.s32 $0x800, s31;
	[dreg:$0x7] =	wrdreg s23  }
0x9: {  	s8 =	sor.u32 $0x80000, s4;
	s22 =	sadd.s32 s1, s7;
	[dreg:$0x4] =	wrdreg s5  }
0xa: {  	s6 =	ssub.s32 $0x2, s6;
	s24 =	sadd.s32 s1, s8;
	[dreg:$0x6] =	wrdreg s22  }
0xb: {  	s26 =	sor.u32 $0xC0000, s4;
	s25 =	sadd.s32 s3, s7;
	[dreg:$0x8] =	wrdreg s24  }
0xc: {  	s10 =	sor.u32 $0x800, s4;
	s0 =	sadd.s32 s1, s26;
	[dreg:$0x9] =	wrdreg s25  }
0xd: {  	s13 =	sor.u32 $0x40800, s4;
	s9 =	sadd.s32 s3, s8;
	[dreg:$0xa] =	wrdreg s0  }
0xe: {  	s17 =	sor.u32 $0x80800, s4;
	s11 =	sadd.s32 s1, s10;
	[dreg:$0xb] =	wrdreg s9  }
0xf: {  	s20 =	sor.u32 $0xC0800, s4;
	s12 =	sadd.s32 s3, s26;
	[dreg:$0xc] =	wrdreg s11  }
0x10: {  	s14 =	sadd.s32 s1, s13;
	s15 =	sadd.s32 $0x1000, s31;
	[dreg:$0xd] =	wrdreg s12  }
0x11: {  	s16 =	sadd.s32 s3, s10;
	s18 =	sadd.s32 s1, s17;
	[dreg:$0xe] =	wrdreg s14  }
0x12: {  	s19 =	sadd.s32 s3, s13;
	s21 =	sadd.s32 s1, s20;
	[dreg:$0xf] =	wrdreg s15  }
0x13: {  	s23 =	sor.u32 $0x1000, s4;
	s26 =	sadd.s32 $0x1800, s31;
	[dreg:$0x10] =	wrdreg s16  }
0x14: {  	s8 =	sor.u32 $0x81000, s4;
	s10 =	sor.u32 $0x1800, s4;
	[dreg:$0x11] =	wrdreg s18  }
0x15: {  	s7 =	simm.s32 $0x5;
	s9 =	sshrl.u32 s6, $0x1;
	[dreg:$0x12] =	wrdreg s19  }
0x16: {  	[dreg:$0x13] =	wrdreg s21;
	s22 =	sadd.s32 s3, s17;
	s28 =	sadd.s32 s1, s23  }
0x17: {  	s0 =	sor.u32 $0x41000, s4;
	s24 =	sadd.s32 s3, s20;
	s21 =	sadd.s32 s3, s23  }
0x18: {  	s17 =	sadd.s32 s3, s8;
	s11 =	sor.u32 $0x41800, s4;
	s18 =	sadd.s32 s1, s10  }
0x19: {  	s12 =	sadd.s32 s3, s10;
	s14 =	sor.u32 $0x81800, s4;
	s6 =	ssub.s32 s6, s9  }
0x1a: {  	[dreg:$0x14] =	wrdreg s22;
	s25 =	sadd.s32 s1, s0;
	s9 =	sor.u32 $0xC1000, s4  }
0x1b: {  	s22 =	sadd.s32 s1, s8;
	s19 =	sadd.s32 s3, s0;
	s23 =	smax.u32 s6, $0x1  }
0x1c: {  	s16 =	sadd.s32 s1, s11;
	s4 =	sor.u32 $0xC1800, s4;
	p1 =	sne.s32 s23, $0x1  }
.Ltmp0:
0x1d: {  	s13 =	sadd.s32 s1, s14;
	s5 =	sadd.s32 s3, s14;
	(pc) =	sbr.rel @!p1 .LBB2_3-.Ltmp0, $4  }
0x1e: {  	s8 =	simm.s32 $0x8000;
	s14 =	simm.s32 $0x3;
	s20 =	sadd.s32 s1, s9  }
0x1f: {  	s15 =	sadd.s32 s3, s9;
	s9 =	sadd.s32 s3, s11;
	s10 =	sadd.s32 s1, s4  }
0x20: {  	s3 =	sadd.s32 s3, s4;
	s4 =	simm.s32 $0xC000;
	s11 =	simm.s32 $0x4  }
0x21: {  	s6 =	simm.s32 $0x6;
	s0 =	sadd.s32 $0xFFFFFFFF, s23;
	s23 =	simm.s32 $0x2  }
0x22: {  	[dreg:$0x15] =	wrdreg s0  }
0x23: {  	[tilespmem:s2], [sflag:$0x1] =	stream.linear.gather [hbm4b:s31+s2], $0x4000, $0x38;
	[tilespmem:$0x10000] =	vst v63  }
0x24: {  	s0 =	rddreg [dreg:$0x4]  }
0x25: {  	[tilespmem:s29], [sflag:$0x2] =	stream.linear.gather [hbm4b:s0+s2], $0x4000, $0x38;
	[tilespmem:$0x10000] =	vst v63  }
0x26: {  	s1 =	rddreg [dreg:$0x5]  }
0x27: {  	[tilespmem:s8], [sflag:$0x3] =	stream.linear.gather [hbm4b:s1+s2], $0x4000, $0x38;
	[tilespmem:$0x10000] =	vst v63  }
0x28: {  	s0 =	rddreg [dreg:$0x6]  }
0x29: {  	[tilespmem:s4], [sflag:$0x4] =	stream.linear.gather [hbm4b:s0+s2], $0x4000, $0x38;
	[tilespmem:$0x10000] =	vst v63  }
0x2a: {  	_ =	swait.ge [sflag:s30], $0x4000  }
0x2b: {  	[sflag:s30] =	ssyncset.done $0x0  }
0x2c: {  	[sflag:s30] =	ssyncadd.s32 $0xFFFFC000  }
0x2d: {  	_ =	swait.ge [sflag:s14], $0x4000  }
0x2e: {  	[sflag:s14] =	ssyncset.done $0x0  }
0x2f: {  	s0 =	rddreg [dreg:$0x7];
	[sflag:s14] =	ssyncadd.s32 $0xFFFFC000  }
0x30: {  	[hbm4b:s0+s2] =	stream.linear.scatter [tilespmem:s8], [sflag:$0x5], $0x4000, $0x38;
	[tilespmem:$0x10000] =	vst v63  }
0x31: {  	s1 =	rddreg [dreg:$0x8]  }
0x32: {  	[tilespmem:s8], [sflag:$0x3] =	stream.linear.gather [hbm4b:s1+s2], $0x4000, $0x38;
	[tilespmem:$0x10000] =	vst v63  }
0x33: {  	_ =	swait.ge [sflag:s11], $0x4000  }
0x34: {  	[sflag:s11] =	ssyncset.done $0x0  }
0x35: {  	s0 =	rddreg [dreg:$0x9];
	[sflag:s11] =	ssyncadd.s32 $0xFFFFC000  }
0x36: {  	[hbm4b:s0+s2] =	stream.linear.scatter [tilespmem:s4], [sflag:$0x6], $0x4000, $0x38;
	[tilespmem:$0x10000] =	vst v63  }
0x37: {  	s1 =	rddreg [dreg:$0xa]  }
0x38: {  	[tilespmem:s4], [sflag:$0x4] =	stream.linear.gather [hbm4b:s1+s2], $0x4000, $0x38;
	[tilespmem:$0x10000] =	vst v63  }
0x39: {  	_ =	swait.ge [sflag:s14], $0x4000  }
0x3a: {  	[sflag:s14] =	ssyncset.done $0x0  }
0x3b: {  	[sflag:s14] =	ssyncadd.s32 $0xFFFFC000  }
0x3c: {  	_ =	swait.ge [sflag:s7], $0x4000  }
0x3d: {  	[sflag:s7] =	ssyncset.done $0x0  }
0x3e: {  	s0 =	rddreg [dreg:$0xb];
	[sflag:s7] =	ssyncadd.s32 $0xFFFFC000  }
0x3f: {  	[hbm4b:s0+s2] =	stream.linear.scatter [tilespmem:s8], [sflag:$0x5], $0x4000, $0x38;
	[tilespmem:$0x10000] =	vst v63  }
0x40: {  	s1 =	rddreg [dreg:$0xc]  }
0x41: {  	[tilespmem:s8], [sflag:$0x3] =	stream.linear.gather [hbm4b:s1+s2], $0x4000, $0x38;
	[tilespmem:$0x10000] =	vst v63  }
0x42: {  	_ =	swait.ge [sflag:s11], $0x4000  }
0x43: {  	[sflag:s11] =	ssyncset.done $0x0  }
0x44: {  	[sflag:s11] =	ssyncadd.s32 $0xFFFFC000  }
0x45: {  	_ =	swait.ge [sflag:s6], $0x4000  }
0x46: {  	[sflag:s6] =	ssyncset.done $0x0  }
0x47: {  	s0 =	rddreg [dreg:$0xd];
	[sflag:s6] =	ssyncadd.s32 $0xFFFFC000  }
0x48: {  	[hbm4b:s0+s2] =	stream.linear.scatter [tilespmem:s4], [sflag:$0x6], $0x4000, $0x38;
	[tilespmem:$0x10000] =	vst v63  }
0x49: {  	s1 =	rddreg [dreg:$0xe]  }
0x4a: {  	[tilespmem:s4], [sflag:$0x4] =	stream.linear.gather [hbm4b:s1+s2], $0x4000, $0x38;
	[tilespmem:$0x10000] =	vst v63  }
0x4b: {  	s0 =	rddreg [dreg:$0xf]  }
0x4c: {  	[tilespmem:s2], [sflag:$0x1] =	stream.linear.gather [hbm4b:s0+s2], $0x4000, $0x38;
	[tilespmem:$0x10000] =	vst v63  }
0x4d: {  	_ =	swait.ge [sflag:s23], $0x4000  }
0x4e: {  	[sflag:s23] =	ssyncset.done $0x0  }
0x4f: {  	[sflag:s23] =	ssyncadd.s32 $0xFFFFC000  }
0x50: {  	_ =	swait.ge [sflag:s14], $0x4000  }
0x51: {  	[sflag:s14] =	ssyncset.done $0x0  }
0x52: {  	[sflag:s14] =	ssyncadd.s32 $0xFFFFC000  }
0x53: {  	_ =	swait.ge [sflag:s7], $0x4000  }
0x54: {  	[sflag:s7] =	ssyncset.done $0x0  }
0x55: {  	s0 =	rddreg [dreg:$0x10];
	[sflag:s7] =	ssyncadd.s32 $0xFFFFC000  }
0x56: {  	[hbm4b:s0+s2] =	stream.linear.scatter [tilespmem:s8], [sflag:$0x5], $0x4000, $0x38;
	[tilespmem:$0x10000] =	vst v63  }
0x57: {  	s1 =	rddreg [dreg:$0x11]  }
0x58: {  	[tilespmem:s8], [sflag:$0x3] =	stream.linear.gather [hbm4b:s1+s2], $0x4000, $0x38;
	[tilespmem:$0x10000] =	vst v63  }
0x59: {  	_ =	swait.ge [sflag:s11], $0x4000  }
0x5a: {  	[sflag:s11] =	ssyncset.done $0x0  }
0x5b: {  	[sflag:s11] =	ssyncadd.s32 $0xFFFFC000  }
0x5c: {  	_ =	swait.ge [sflag:s6], $0x4000  }
0x5d: {  	[sflag:s6] =	ssyncset.done $0x0  }
0x5e: {  	s0 =	rddreg [dreg:$0x12];
	[sflag:s6] =	ssyncadd.s32 $0xFFFFC000  }
0x5f: {  	[hbm4b:s0+s2] =	stream.linear.scatter [tilespmem:s4], [sflag:$0x6], $0x4000, $0x38;
	[tilespmem:$0x10000] =	vst v63  }
0x60: {  	s1 =	rddreg [dreg:$0x13]  }
0x61: {  	[tilespmem:s4], [sflag:$0x4] =	stream.linear.gather [hbm4b:s1+s2], $0x4000, $0x38;
	[tilespmem:$0x10000] =	vst v63  }
0x62: {  	_ =	swait.ge [sflag:s14], $0x4000  }
0x63: {  	[sflag:s14] =	ssyncset.done $0x0  }
0x64: {  	[sflag:s14] =	ssyncadd.s32 $0xFFFFC000  }
0x65: {  	_ =	swait.ge [sflag:s7], $0x4000  }
0x66: {  	[sflag:s7] =	ssyncset.done $0x0  }
0x67: {  	s1 =	rddreg [dreg:$0x14];
	[sflag:s7] =	ssyncadd.s32 $0xFFFFC000  }
0x68: {  	[hbm4b:s1+s2] =	stream.linear.scatter [tilespmem:s8], [sflag:$0x5], $0x4000, $0x38;
	[tilespmem:$0x10000] =	vst v63  }
0x69: {  	_ = 	snop  }
0x6a: {  	[tilespmem:s8], [sflag:$0x3] =	stream.linear.gather [hbm4b:s28+s2], $0x4000, $0x38;
	[tilespmem:$0x10000] =	vst v63  }
0x6b: {  	_ =	swait.ge [sflag:s11], $0x4000  }
0x6c: {  	[sflag:s11] =	ssyncset.done $0x0  }
0x6d: {  	[sflag:s11] =	ssyncadd.s32 $0xFFFFC000  }
0x6e: {  	_ =	swait.ge [sflag:s6], $0x4000  }
0x6f: {  	[sflag:s6] =	ssyncset.done $0x0  }
0x70: {  	[sflag:s6] =	ssyncadd.s32 $0xFFFFC000  }
0x71: {  	[hbm4b:s24+s2] =	stream.linear.scatter [tilespmem:s4], [sflag:$0x6], $0x4000, $0x38;
	[tilespmem:$0x10000] =	vst v63  }
0x72: {  	_ = 	snop  }
0x73: {  	[tilespmem:s4], [sflag:$0x4] =	stream.linear.gather [hbm4b:s25+s2], $0x4000, $0x38;
	[tilespmem:$0x10000] =	vst v63  }
0x74: {  	_ = 	snop  }
0x75: {  	[tilespmem:s29], [sflag:$0x2] =	stream.linear.gather [hbm4b:s26+s2], $0x4000, $0x38;
	[tilespmem:$0x10000] =	vst v63  }
0x76: {  	_ =	swait.ge [sflag:s30], $0x4000  }
0x77: {  	[sflag:s30] =	ssyncset.done $0x0  }
0x78: {  	[sflag:s30] =	ssyncadd.s32 $0xFFFFC000  }
0x79: {  	_ =	swait.ge [sflag:s14], $0x4000  }
0x7a: {  	[sflag:s14] =	ssyncset.done $0x0  }
0x7b: {  	[sflag:s14] =	ssyncadd.s32 $0xFFFFC000  }
0x7c: {  	_ =	swait.ge [sflag:s7], $0x4000  }
0x7d: {  	[sflag:s7] =	ssyncset.done $0x0  }
0x7e: {  	[sflag:s7] =	ssyncadd.s32 $0xFFFFC000  }
0x7f: {  	[hbm4b:s21+s2] =	stream.linear.scatter [tilespmem:s8], [sflag:$0x5], $0x4000, $0x38;
	[tilespmem:$0x10000] =	vst v63  }
0x80: {  	_ = 	snop  }
0x81: {  	[tilespmem:s8], [sflag:$0x3] =	stream.linear.gather [hbm4b:s22+s2], $0x4000, $0x38;
	[tilespmem:$0x10000] =	vst v63  }
0x82: {  	_ =	swait.ge [sflag:s11], $0x4000  }
0x83: {  	[sflag:s11] =	ssyncset.done $0x0  }
0x84: {  	[sflag:s11] =	ssyncadd.s32 $0xFFFFC000  }
0x85: {  	_ =	swait.ge [sflag:s6], $0x4000  }
0x86: {  	[sflag:s6] =	ssyncset.done $0x0  }
0x87: {  	[sflag:s6] =	ssyncadd.s32 $0xFFFFC000  }
0x88: {  	[hbm4b:s19+s2] =	stream.linear.scatter [tilespmem:s4], [sflag:$0x6], $0x4000, $0x38;
	[tilespmem:$0x10000] =	vst v63  }
0x89: {  	_ = 	snop  }
0x8a: {  	[tilespmem:s4], [sflag:$0x4] =	stream.linear.gather [hbm4b:s20+s2], $0x4000, $0x38;
	[tilespmem:$0x10000] =	vst v63  }
0x8b: {  	_ =	swait.ge [sflag:s14], $0x4000  }
0x8c: {  	[sflag:s14] =	ssyncset.done $0x0  }
0x8d: {  	[sflag:s14] =	ssyncadd.s32 $0xFFFFC000  }
0x8e: {  	_ =	swait.ge [sflag:s7], $0x4000  }
0x8f: {  	[sflag:s7] =	ssyncset.done $0x0  }
0x90: {  	[sflag:s7] =	ssyncadd.s32 $0xFFFFC000  }
0x91: {  	[hbm4b:s17+s2] =	stream.linear.scatter [tilespmem:s8], [sflag:$0x5], $0x4000, $0x38;
	[tilespmem:$0x10000] =	vst v63  }
0x92: {  	_ = 	snop  }
0x93: {  	[tilespmem:s8], [sflag:$0x3] =	stream.linear.gather [hbm4b:s18+s2], $0x4000, $0x38;
	[tilespmem:$0x10000] =	vst v63  }
0x94: {  	_ =	swait.ge [sflag:s11], $0x4000  }
0x95: {  	[sflag:s11] =	ssyncset.done $0x0  }
0x96: {  	[sflag:s11] =	ssyncadd.s32 $0xFFFFC000  }
0x97: {  	_ =	swait.ge [sflag:s6], $0x4000  }
0x98: {  	[sflag:s6] =	ssyncset.done $0x0  }
0x99: {  	[sflag:s6] =	ssyncadd.s32 $0xFFFFC000  }
0x9a: {  	[hbm4b:s15+s2] =	stream.linear.scatter [tilespmem:s4], [sflag:$0x6], $0x4000, $0x38;
	[tilespmem:$0x10000] =	vst v63  }
0x9b: {  	_ = 	snop  }
0x9c: {  	[tilespmem:s4], [sflag:$0x4] =	stream.linear.gather [hbm4b:s16+s2], $0x4000, $0x38;
	[tilespmem:$0x10000] =	vst v63  }
0x9d: {  	_ =	swait.ge [sflag:s23], $0x4000  }
0x9e: {  	[sflag:s23] =	ssyncset.done $0x0  }
0x9f: {  	[sflag:s23] =	ssyncadd.s32 $0xFFFFC000  }
0xa0: {  	_ =	swait.ge [sflag:s14], $0x4000  }
0xa1: {  	[sflag:s14] =	ssyncset.done $0x0  }
0xa2: {  	[sflag:s14] =	ssyncadd.s32 $0xFFFFC000  }
0xa3: {  	_ =	swait.ge [sflag:s7], $0x4000  }
0xa4: {  	[sflag:s7] =	ssyncset.done $0x0  }
0xa5: {  	[sflag:s7] =	ssyncadd.s32 $0xFFFFC000  }
0xa6: {  	[hbm4b:s12+s2] =	stream.linear.scatter [tilespmem:s8], [sflag:$0x5], $0x4000, $0x38;
	[tilespmem:$0x10000] =	vst v63  }
0xa7: {  	_ = 	snop  }
0xa8: {  	[tilespmem:s8], [sflag:$0x3] =	stream.linear.gather [hbm4b:s13+s2], $0x4000, $0x38;
	[tilespmem:$0x10000] =	vst v63  }
0xa9: {  	_ =	swait.ge [sflag:s11], $0x4000  }
0xaa: {  	[sflag:s11] =	ssyncset.done $0x0  }
0xab: {  	[sflag:s11] =	ssyncadd.s32 $0xFFFFC000  }
0xac: {  	_ =	swait.ge [sflag:s6], $0x4000  }
0xad: {  	[sflag:s6] =	ssyncset.done $0x0  }
0xae: {  	[sflag:s6] =	ssyncadd.s32 $0xFFFFC000  }
0xaf: {  	[hbm4b:s9+s2] =	stream.linear.scatter [tilespmem:s4], [sflag:$0x6], $0x4000, $0x38;
	[tilespmem:$0x10000] =	vst v63  }
0xb0: {  	_ = 	snop  }
0xb1: {  	[tilespmem:s4], [sflag:$0x4] =	stream.linear.gather [hbm4b:s10+s2], $0x4000, $0x38;
	[tilespmem:$0x10000] =	vst v63  }
0xb2: {  	_ =	swait.ge [sflag:s14], $0x4000  }
0xb3: {  	[sflag:s14] =	ssyncset.done $0x0  }
0xb4: {  	[sflag:s14] =	ssyncadd.s32 $0xFFFFC000  }
0xb5: {  	_ =	swait.ge [sflag:s7], $0x4000  }
0xb6: {  	[sflag:s7] =	ssyncset.done $0x0  }
0xb7: {  	[sflag:s7] =	ssyncadd.s32 $0xFFFFC000  }
0xb8: {  	[hbm4b:s5+s2] =	stream.linear.scatter [tilespmem:s8], [sflag:$0x5], $0x4000, $0x38;
	[tilespmem:$0x10000] =	vst v63  }
0xb9: {  	_ =	swait.ge [sflag:s11], $0x4000  }
0xba: {  	[sflag:s11] =	ssyncset.done $0x0  }
0xbb: {  	[sflag:s11] =	ssyncadd.s32 $0xFFFFC000  }
0xbc: {  	_ =	swait.ge [sflag:s6], $0x4000  }
0xbd: {  	[sflag:s6] =	ssyncset.done $0x0  }
0xbe: {  	[sflag:s6] =	ssyncadd.s32 $0xFFFFC000  }
0xbf: {  	[hbm4b:s3+s2] =	stream.linear.scatter [tilespmem:s4], [sflag:$0x6], $0x4000, $0x38;
	[tilespmem:$0x10000] =	vst v63  }
0xc0: {  	_ =	swait.ge [sflag:s7], $0x4000  }
0xc1: {  	s1 =	rddreg [dreg:$0x15]  }
0xc2: {  	p1 =	sne.s32 s1, $0x1  }
.Ltmp1:
0xc3: {  	_ = 	snop;
	(pc) =	sbr.rel @!p1 .LBB2_3-.Ltmp1, $4  }
0xc4: {  	[sflag:s7] =	ssyncset.done $0x0  }
0xc5: {  	[sflag:s7] =	ssyncadd.s32 $0xFFFFC000  }
0xc6: {  	_ =	swait.ge [sflag:s6], $0x4000  }
0xc7: {  	p0 =	por $0x1, $0x1;
	s1 =	sadd.s32 $0xFFFFFFFF, s1;
	[sflag:s6] =	ssyncset.done $0x0  }
.LBB2_2:
0xc8: {  	s0 =	rddreg [dreg:$0x4]  }
0xc9: {  	[sflag:s6] =	ssyncadd.s32 $0xFFFFC000;
	s23 =	simm.s32 $0x4000;
	s29 =	smov.u32 s28  }
0xca: {  	s28 =	smov.u32 s26;
	s26 =	smov.u32 s25;
	s25 =	smov.u32 s24  }
0xcb: {  	s24 =	smov.u32 s22;
	s22 =	smov.u32 s21;
	s21 =	smov.u32 s20  }
0xcc: {  	s20 =	smov.u32 s19;
	s19 =	smov.u32 s18;
	s18 =	smov.u32 s17  }
0xcd: {  	s17 =	smov.u32 s16;
	s16 =	smov.u32 s15;
	s15 =	smov.u32 s13  }
0xce: {  	[tilespmem:s2], [sflag:$0x1] =	stream.linear.gather [hbm4b:s31+s2], $0x4000, $0x38;
	[tilespmem:$0x10000] =	vst v63  }
0xcf: {  	s13 =	smov.u32 s12;
	s12 =	smov.u32 s10;
	s10 =	smov.u32 s9  }
0xd0: {  	[tilespmem:s23], [sflag:$0x2] =	stream.linear.gather [hbm4b:s0+s2], $0x4000, $0x38;
	[tilespmem:$0x10000] =	vst v63  }
0xd1: {  	s9 =	smov.u32 s5;
	s5 =	smov.u32 s3;
	s3 =	rddreg [dreg:$0x5]  }
0xd2: {  	[tilespmem:s8], [sflag:$0x3] =	stream.linear.gather [hbm4b:s3+s2], $0x4000, $0x38;
	[tilespmem:$0x10000] =	vst v63  }
0xd3: {  	s0 =	rddreg [dreg:$0x6]  }
0xd4: {  	[tilespmem:s4], [sflag:$0x4] =	stream.linear.gather [hbm4b:s0+s2], $0x4000, $0x38;
	[tilespmem:$0x10000] =	vst v63  }
0xd5: {  	_ =	swait.ge [sflag:s30], $0x4000  }
0xd6: {  	[sflag:s30] =	ssyncset.done $0x0  }
0xd7: {  	[sflag:s30] =	ssyncadd.s32 $0xFFFFC000  }
0xd8: {  	_ =	swait.ge [sflag:s14], $0x4000  }
0xd9: {  	[sflag:s14] =	ssyncset.done $0x0  }
0xda: {  	s0 =	rddreg [dreg:$0x7];
	[sflag:s14] =	ssyncadd.s32 $0xFFFFC000  }
0xdb: {  	[hbm4b:s0+s2] =	stream.linear.scatter [tilespmem:s8], [sflag:$0x5], $0x4000, $0x38;
	[tilespmem:$0x10000] =	vst v63  }
0xdc: {  	s3 =	rddreg [dreg:$0x8]  }
0xdd: {  	[tilespmem:s8], [sflag:$0x3] =	stream.linear.gather [hbm4b:s3+s2], $0x4000, $0x38;
	[tilespmem:$0x10000] =	vst v63  }
0xde: {  	_ =	swait.ge [sflag:s11], $0x4000  }
0xdf: {  	[sflag:s11] =	ssyncset.done $0x0  }
0xe0: {  	s0 =	rddreg [dreg:$0x9];
	[sflag:s11] =	ssyncadd.s32 $0xFFFFC000  }
0xe1: {  	[hbm4b:s0+s2] =	stream.linear.scatter [tilespmem:s4], [sflag:$0x6], $0x4000, $0x38;
	[tilespmem:$0x10000] =	vst v63  }
0xe2: {  	s3 =	rddreg [dreg:$0xa]  }
0xe3: {  	[tilespmem:s4], [sflag:$0x4] =	stream.linear.gather [hbm4b:s3+s2], $0x4000, $0x38;
	[tilespmem:$0x10000] =	vst v63  }
0xe4: {  	_ =	swait.ge [sflag:s14], $0x4000  }
0xe5: {  	[sflag:s14] =	ssyncset.done $0x0  }
0xe6: {  	[sflag:s14] =	ssyncadd.s32 $0xFFFFC000  }
0xe7: {  	_ =	swait.ge [sflag:s7], $0x4000  }
0xe8: {  	[sflag:s7] =	ssyncset.done $0x0  }
0xe9: {  	s0 =	rddreg [dreg:$0xb];
	[sflag:s7] =	ssyncadd.s32 $0xFFFFC000  }
0xea: {  	[hbm4b:s0+s2] =	stream.linear.scatter [tilespmem:s8], [sflag:$0x5], $0x4000, $0x38;
	[tilespmem:$0x10000] =	vst v63  }
0xeb: {  	s3 =	rddreg [dreg:$0xc]  }
0xec: {  	[tilespmem:s8], [sflag:$0x3] =	stream.linear.gather [hbm4b:s3+s2], $0x4000, $0x38;
	[tilespmem:$0x10000] =	vst v63  }
0xed: {  	_ =	swait.ge [sflag:s11], $0x4000  }
0xee: {  	[sflag:s11] =	ssyncset.done $0x0  }
0xef: {  	[sflag:s11] =	ssyncadd.s32 $0xFFFFC000  }
0xf0: {  	_ =	swait.ge [sflag:s6], $0x4000  }
0xf1: {  	[sflag:s6] =	ssyncset.done $0x0  }
0xf2: {  	s0 =	rddreg [dreg:$0xd];
	[sflag:s6] =	ssyncadd.s32 $0xFFFFC000  }
0xf3: {  	[hbm4b:s0+s2] =	stream.linear.scatter [tilespmem:s4], [sflag:$0x6], $0x4000, $0x38;
	[tilespmem:$0x10000] =	vst v63  }
0xf4: {  	s3 =	rddreg [dreg:$0xe]  }
0xf5: {  	[tilespmem:s4], [sflag:$0x4] =	stream.linear.gather [hbm4b:s3+s2], $0x4000, $0x38;
	[tilespmem:$0x10000] =	vst v63  }
0xf6: {  	s23 =	simm.s32 $0x2;
	s0 =	rddreg [dreg:$0xf]  }
0xf7: {  	[tilespmem:s2], [sflag:$0x1] =	stream.linear.gather [hbm4b:s0+s2], $0x4000, $0x38;
	[tilespmem:$0x10000] =	vst v63  }
0xf8: {  	_ =	swait.ge [sflag:s23], $0x4000  }
0xf9: {  	[sflag:s23] =	ssyncset.done $0x0  }
0xfa: {  	[sflag:s23] =	ssyncadd.s32 $0xFFFFC000  }
0xfb: {  	_ =	swait.ge [sflag:s14], $0x4000  }
0xfc: {  	[sflag:s14] =	ssyncset.done $0x0  }
0xfd: {  	[sflag:s14] =	ssyncadd.s32 $0xFFFFC000  }
0xfe: {  	_ =	swait.ge [sflag:s7], $0x4000  }
0xff: {  	[sflag:s7] =	ssyncset.done $0x0  }
0x100: {  	s0 =	rddreg [dreg:$0x10];
	[sflag:s7] =	ssyncadd.s32 $0xFFFFC000  }
0x101: {  	[hbm4b:s0+s2] =	stream.linear.scatter [tilespmem:s8], [sflag:$0x5], $0x4000, $0x38;
	[tilespmem:$0x10000] =	vst v63  }
0x102: {  	s3 =	rddreg [dreg:$0x11]  }
0x103: {  	[tilespmem:s8], [sflag:$0x3] =	stream.linear.gather [hbm4b:s3+s2], $0x4000, $0x38;
	[tilespmem:$0x10000] =	vst v63  }
0x104: {  	_ =	swait.ge [sflag:s11], $0x4000  }
0x105: {  	[sflag:s11] =	ssyncset.done $0x0  }
0x106: {  	[sflag:s11] =	ssyncadd.s32 $0xFFFFC000  }
0x107: {  	_ =	swait.ge [sflag:s6], $0x4000  }
0x108: {  	[sflag:s6] =	ssyncset.done $0x0  }
0x109: {  	s0 =	rddreg [dreg:$0x12];
	[sflag:s6] =	ssyncadd.s32 $0xFFFFC000  }
0x10a: {  	[hbm4b:s0+s2] =	stream.linear.scatter [tilespmem:s4], [sflag:$0x6], $0x4000, $0x38;
	[tilespmem:$0x10000] =	vst v63  }
0x10b: {  	s3 =	rddreg [dreg:$0x13]  }
0x10c: {  	[tilespmem:s4], [sflag:$0x4] =	stream.linear.gather [hbm4b:s3+s2], $0x4000, $0x38;
	[tilespmem:$0x10000] =	vst v63  }
0x10d: {  	s3 =	smov.u32 s5  }
0x10e: {  	s5 =	smov.u32 s9;
	s9 =	smov.u32 s10;
	s10 =	smov.u32 s12  }
0x10f: {  	s12 =	smov.u32 s13;
	s13 =	smov.u32 s15;
	_ =	swait.ge [sflag:s14], $0x4000  }
0x110: {  	s15 =	smov.u32 s16;
	s16 =	smov.u32 s17;
	[sflag:s14] =	ssyncset.done $0x0  }
0x111: {  	s17 =	smov.u32 s18;
	s18 =	smov.u32 s19;
	[sflag:s14] =	ssyncadd.s32 $0xFFFFC000  }
0x112: {  	s19 =	smov.u32 s20;
	s20 =	smov.u32 s21;
	_ =	swait.ge [sflag:s7], $0x4000  }
0x113: {  	s21 =	smov.u32 s22;
	s22 =	smov.u32 s24;
	[sflag:s7] =	ssyncset.done $0x0  }
0x114: {  	s24 =	smov.u32 s25;
	s0 =	rddreg [dreg:$0x14];
	[sflag:s7] =	ssyncadd.s32 $0xFFFFC000  }
0x115: {  	[hbm4b:s0+s2] =	stream.linear.scatter [tilespmem:s8], [sflag:$0x5], $0x4000, $0x38;
	[tilespmem:$0x10000] =	vst v63  }
0x116: {  	s25 =	smov.u32 s26;
	s26 =	smov.u32 s28;
	s28 =	smov.u32 s29  }
0x117: {  	[tilespmem:s8], [sflag:$0x3] =	stream.linear.gather [hbm4b:s28+s2], $0x4000, $0x38;
	[tilespmem:$0x10000] =	vst v63  }
0x118: {  	_ =	swait.ge [sflag:s11], $0x4000  }
0x119: {  	[sflag:s11] =	ssyncset.done $0x0  }
0x11a: {  	[sflag:s11] =	ssyncadd.s32 $0xFFFFC000  }
0x11b: {  	_ =	swait.ge [sflag:s6], $0x4000  }
0x11c: {  	[sflag:s6] =	ssyncset.done $0x0  }
0x11d: {  	[sflag:s6] =	ssyncadd.s32 $0xFFFFC000  }
0x11e: {  	[hbm4b:s24+s2] =	stream.linear.scatter [tilespmem:s4], [sflag:$0x6], $0x4000, $0x38;
	[tilespmem:$0x10000] =	vst v63  }
0x11f: {  	_ = 	snop  }
0x120: {  	[tilespmem:s4], [sflag:$0x4] =	stream.linear.gather [hbm4b:s25+s2], $0x4000, $0x38;
	[tilespmem:$0x10000] =	vst v63  }
0x121: {  	s29 =	simm.s32 $0x4000  }
0x122: {  	[tilespmem:s29], [sflag:$0x2] =	stream.linear.gather [hbm4b:s26+s2], $0x4000, $0x38;
	[tilespmem:$0x10000] =	vst v63  }
0x123: {  	_ =	swait.ge [sflag:s30], $0x4000  }
0x124: {  	[sflag:s30] =	ssyncset.done $0x0  }
0x125: {  	[sflag:s30] =	ssyncadd.s32 $0xFFFFC000  }
0x126: {  	_ =	swait.ge [sflag:s14], $0x4000  }
0x127: {  	[sflag:s14] =	ssyncset.done $0x0  }
0x128: {  	[sflag:s14] =	ssyncadd.s32 $0xFFFFC000  }
0x129: {  	_ =	swait.ge [sflag:s7], $0x4000  }
0x12a: {  	[sflag:s7] =	ssyncset.done $0x0  }
0x12b: {  	[sflag:s7] =	ssyncadd.s32 $0xFFFFC000  }
0x12c: {  	[hbm4b:s21+s2] =	stream.linear.scatter [tilespmem:s8], [sflag:$0x5], $0x4000, $0x38;
	[tilespmem:$0x10000] =	vst v63  }
0x12d: {  	_ = 	snop  }
0x12e: {  	[tilespmem:s8], [sflag:$0x3] =	stream.linear.gather [hbm4b:s22+s2], $0x4000, $0x38;
	[tilespmem:$0x10000] =	vst v63  }
0x12f: {  	_ =	swait.ge [sflag:s11], $0x4000  }
0x130: {  	[sflag:s11] =	ssyncset.done $0x0  }
0x131: {  	[sflag:s11] =	ssyncadd.s32 $0xFFFFC000  }
0x132: {  	_ =	swait.ge [sflag:s6], $0x4000  }
0x133: {  	[sflag:s6] =	ssyncset.done $0x0  }
0x134: {  	[sflag:s6] =	ssyncadd.s32 $0xFFFFC000  }
0x135: {  	[hbm4b:s19+s2] =	stream.linear.scatter [tilespmem:s4], [sflag:$0x6], $0x4000, $0x38;
	[tilespmem:$0x10000] =	vst v63  }
0x136: {  	_ = 	snop  }
0x137: {  	[tilespmem:s4], [sflag:$0x4] =	stream.linear.gather [hbm4b:s20+s2], $0x4000, $0x38;
	[tilespmem:$0x10000] =	vst v63  }
0x138: {  	_ =	swait.ge [sflag:s14], $0x4000  }
0x139: {  	[sflag:s14] =	ssyncset.done $0x0  }
0x13a: {  	[sflag:s14] =	ssyncadd.s32 $0xFFFFC000  }
0x13b: {  	_ =	swait.ge [sflag:s7], $0x4000  }
0x13c: {  	[sflag:s7] =	ssyncset.done $0x0  }
0x13d: {  	[sflag:s7] =	ssyncadd.s32 $0xFFFFC000  }
0x13e: {  	[hbm4b:s17+s2] =	stream.linear.scatter [tilespmem:s8], [sflag:$0x5], $0x4000, $0x38;
	[tilespmem:$0x10000] =	vst v63  }
0x13f: {  	_ = 	snop  }
0x140: {  	[tilespmem:s8], [sflag:$0x3] =	stream.linear.gather [hbm4b:s18+s2], $0x4000, $0x38;
	[tilespmem:$0x10000] =	vst v63  }
0x141: {  	_ =	swait.ge [sflag:s11], $0x4000  }
0x142: {  	[sflag:s11] =	ssyncset.done $0x0  }
0x143: {  	[sflag:s11] =	ssyncadd.s32 $0xFFFFC000  }
0x144: {  	_ =	swait.ge [sflag:s6], $0x4000  }
0x145: {  	[sflag:s6] =	ssyncset.done $0x0  }
0x146: {  	[sflag:s6] =	ssyncadd.s32 $0xFFFFC000  }
0x147: {  	[hbm4b:s15+s2] =	stream.linear.scatter [tilespmem:s4], [sflag:$0x6], $0x4000, $0x38;
	[tilespmem:$0x10000] =	vst v63  }
0x148: {  	_ = 	snop  }
0x149: {  	[tilespmem:s4], [sflag:$0x4] =	stream.linear.gather [hbm4b:s16+s2], $0x4000, $0x38;
	[tilespmem:$0x10000] =	vst v63  }
0x14a: {  	_ =	swait.ge [sflag:s23], $0x4000  }
0x14b: {  	[sflag:s23] =	ssyncset.done $0x0  }
0x14c: {  	[sflag:s23] =	ssyncadd.s32 $0xFFFFC000  }
0x14d: {  	_ =	swait.ge [sflag:s14], $0x4000  }
0x14e: {  	[sflag:s14] =	ssyncset.done $0x0  }
0x14f: {  	[sflag:s14] =	ssyncadd.s32 $0xFFFFC000  }
0x150: {  	_ =	swait.ge [sflag:s7], $0x4000  }
0x151: {  	[sflag:s7] =	ssyncset.done $0x0  }
0x152: {  	[sflag:s7] =	ssyncadd.s32 $0xFFFFC000  }
0x153: {  	[hbm4b:s12+s2] =	stream.linear.scatter [tilespmem:s8], [sflag:$0x5], $0x4000, $0x38;
	[tilespmem:$0x10000] =	vst v63  }
0x154: {  	_ = 	snop  }
0x155: {  	[tilespmem:s8], [sflag:$0x3] =	stream.linear.gather [hbm4b:s13+s2], $0x4000, $0x38;
	[tilespmem:$0x10000] =	vst v63  }
0x156: {  	_ =	swait.ge [sflag:s11], $0x4000  }
0x157: {  	[sflag:s11] =	ssyncset.done $0x0  }
0x158: {  	[sflag:s11] =	ssyncadd.s32 $0xFFFFC000  }
0x159: {  	_ =	swait.ge [sflag:s6], $0x4000  }
0x15a: {  	[sflag:s6] =	ssyncset.done $0x0  }
0x15b: {  	[sflag:s6] =	ssyncadd.s32 $0xFFFFC000  }
0x15c: {  	[hbm4b:s9+s2] =	stream.linear.scatter [tilespmem:s4], [sflag:$0x6], $0x4000, $0x38;
	[tilespmem:$0x10000] =	vst v63  }
0x15d: {  	_ = 	snop  }
0x15e: {  	[tilespmem:s4], [sflag:$0x4] =	stream.linear.gather [hbm4b:s10+s2], $0x4000, $0x38;
	[tilespmem:$0x10000] =	vst v63  }
0x15f: {  	_ =	swait.ge [sflag:s14], $0x4000  }
0x160: {  	[sflag:s14] =	ssyncset.done $0x0  }
0x161: {  	[sflag:s14] =	ssyncadd.s32 $0xFFFFC000  }
0x162: {  	_ =	swait.ge [sflag:s7], $0x4000  }
0x163: {  	[sflag:s7] =	ssyncset.done $0x0  }
0x164: {  	[sflag:s7] =	ssyncadd.s32 $0xFFFFC000  }
0x165: {  	[hbm4b:s5+s2] =	stream.linear.scatter [tilespmem:s8], [sflag:$0x5], $0x4000, $0x38;
	[tilespmem:$0x10000] =	vst v63  }
0x166: {  	_ =	swait.ge [sflag:s11], $0x4000  }
0x167: {  	[sflag:s11] =	ssyncset.done $0x0  }
0x168: {  	[sflag:s11] =	ssyncadd.s32 $0xFFFFC000  }
0x169: {  	_ =	swait.ge [sflag:s6], $0x4000  }
0x16a: {  	[sflag:s6] =	ssyncset.done $0x0  }
0x16b: {  	p1 =	sne.s32 s1, $0x1;
	[sflag:s6] =	ssyncadd.s32 $0xFFFFC000  }
0x16c: {  	[hbm4b:s3+s2] =	stream.linear.scatter [tilespmem:s4], [sflag:$0x6], $0x4000, $0x38;
	[tilespmem:$0x10000] =	vst v63  }
.Ltmp2:
0x16d: {  	_ =	swait.ge [sflag:s7], $0x4000;
	(pc) =	sbr.rel @p1 .LBB2_2-.Ltmp2, $4  }
0x16e: {  	[sflag:s7] =	ssyncset.done $0x0  }
0x16f: {  	[sflag:s7] =	ssyncadd.s32 $0xFFFFC000  }
0x170: {  	_ =	swait.ge [sflag:s6], $0x4000  }
0x171: {  	s1 =	sadd.s32 $0xFFFFFFFF, s1;
	[sflag:s6] =	ssyncset.done $0x0  }
.LBB2_3:
0x172: {  	[sflag:s6] =	ssyncadd.s32 @p0 $0xFFFFC000  }
0x173: {  	[tilespmem:s2], [sflag:$0x1] =	stream.linear.gather [hbm4b:s31+s2], $0x4000, $0x38;
	[tilespmem:$0x10000] =	vst v63  }
0x174: {  	s0 =	rddreg [dreg:$0x4]  }
0x175: {  	[tilespmem:s29], [sflag:$0x2] =	stream.linear.gather [hbm4b:s0+s2], $0x4000, $0x38;
	[tilespmem:$0x10000] =	vst v63  }
0x176: {  	s1 =	rddreg [dreg:$0x5]  }
0x177: {  	[tilespmem:s8], [sflag:$0x3] =	stream.linear.gather [hbm4b:s1+s2], $0x4000, $0x38;
	[tilespmem:$0x10000] =	vst v63  }
0x178: {  	s31 =	rddreg [dreg:$0x6]  }
0x179: {  	[tilespmem:s4], [sflag:$0x4] =	stream.linear.gather [hbm4b:s31+s2], $0x4000, $0x38;
	[tilespmem:$0x10000] =	vst v63  }
0x17a: {  	_ =	swait.ge [sflag:s30], $0x4000  }
0x17b: {  	[sflag:s30] =	ssyncset.done $0x0  }
0x17c: {  	[sflag:s30] =	ssyncadd.s32 $0xFFFFC000  }
0x17d: {  	_ =	swait.ge [sflag:s14], $0x4000  }
0x17e: {  	[sflag:s14] =	ssyncset.done $0x0  }
0x17f: {  	s1 =	rddreg [dreg:$0x7];
	[sflag:s14] =	ssyncadd.s32 $0xFFFFC000  }
0x180: {  	[hbm4b:s1+s2] =	stream.linear.scatter [tilespmem:s8], [sflag:$0x5], $0x4000, $0x38;
	[tilespmem:$0x10000] =	vst v63  }
0x181: {  	s31 =	rddreg [dreg:$0x8]  }
0x182: {  	[tilespmem:s8], [sflag:$0x3] =	stream.linear.gather [hbm4b:s31+s2], $0x4000, $0x38;
	[tilespmem:$0x10000] =	vst v63  }
0x183: {  	_ =	swait.ge [sflag:s11], $0x4000  }
0x184: {  	[sflag:s11] =	ssyncset.done $0x0  }
0x185: {  	s1 =	rddreg [dreg:$0x9];
	[sflag:s11] =	ssyncadd.s32 $0xFFFFC000  }
0x186: {  	[hbm4b:s1+s2] =	stream.linear.scatter [tilespmem:s4], [sflag:$0x6], $0x4000, $0x38;
	[tilespmem:$0x10000] =	vst v63  }
0x187: {  	s31 =	rddreg [dreg:$0xa]  }
0x188: {  	[tilespmem:s4], [sflag:$0x4] =	stream.linear.gather [hbm4b:s31+s2], $0x4000, $0x38;
	[tilespmem:$0x10000] =	vst v63  }
0x189: {  	_ =	swait.ge [sflag:s14], $0x4000  }
0x18a: {  	[sflag:s14] =	ssyncset.done $0x0  }
0x18b: {  	[sflag:s14] =	ssyncadd.s32 $0xFFFFC000  }
0x18c: {  	_ =	swait.ge [sflag:s7], $0x4000  }
0x18d: {  	[sflag:s7] =	ssyncset.done $0x0  }
0x18e: {  	s1 =	rddreg [dreg:$0xb];
	[sflag:s7] =	ssyncadd.s32 $0xFFFFC000  }
0x18f: {  	[hbm4b:s1+s2] =	stream.linear.scatter [tilespmem:s8], [sflag:$0x5], $0x4000, $0x38;
	[tilespmem:$0x10000] =	vst v63  }
0x190: {  	s31 =	rddreg [dreg:$0xc]  }
0x191: {  	[tilespmem:s8], [sflag:$0x3] =	stream.linear.gather [hbm4b:s31+s2], $0x4000, $0x38;
	[tilespmem:$0x10000] =	vst v63  }
0x192: {  	_ =	swait.ge [sflag:s11], $0x4000  }
0x193: {  	[sflag:s11] =	ssyncset.done $0x0  }
0x194: {  	[sflag:s11] =	ssyncadd.s32 $0xFFFFC000  }
0x195: {  	_ =	swait.ge [sflag:s6], $0x4000  }
0x196: {  	[sflag:s6] =	ssyncset.done $0x0  }
0x197: {  	s31 =	rddreg [dreg:$0xd];
	[sflag:s6] =	ssyncadd.s32 $0xFFFFC000  }
0x198: {  	[hbm4b:s31+s2] =	stream.linear.scatter [tilespmem:s4], [sflag:$0x6], $0x4000, $0x38;
	[tilespmem:$0x10000] =	vst v63  }
0x199: {  	s1 =	rddreg [dreg:$0xe]  }
0x19a: {  	[tilespmem:s4], [sflag:$0x4] =	stream.linear.gather [hbm4b:s1+s2], $0x4000, $0x38;
	[tilespmem:$0x10000] =	vst v63  }
0x19b: {  	s31 =	rddreg [dreg:$0xf]  }
0x19c: {  	[tilespmem:s2], [sflag:$0x1] =	stream.linear.gather [hbm4b:s31+s2], $0x4000, $0x38;
	[tilespmem:$0x10000] =	vst v63  }
0x19d: {  	_ =	swait.ge [sflag:s23], $0x4000  }
0x19e: {  	[sflag:s23] =	ssyncset.done $0x0  }
0x19f: {  	[sflag:s23] =	ssyncadd.s32 $0xFFFFC000  }
0x1a0: {  	_ =	swait.ge [sflag:s14], $0x4000  }
0x1a1: {  	[sflag:s14] =	ssyncset.done $0x0  }
0x1a2: {  	[sflag:s14] =	ssyncadd.s32 $0xFFFFC000  }
0x1a3: {  	_ =	swait.ge [sflag:s7], $0x4000  }
0x1a4: {  	[sflag:s7] =	ssyncset.done $0x0  }
0x1a5: {  	s1 =	rddreg [dreg:$0x10];
	[sflag:s7] =	ssyncadd.s32 $0xFFFFC000  }
0x1a6: {  	[hbm4b:s1+s2] =	stream.linear.scatter [tilespmem:s8], [sflag:$0x5], $0x4000, $0x38;
	[tilespmem:$0x10000] =	vst v63  }
0x1a7: {  	s31 =	rddreg [dreg:$0x11]  }
0x1a8: {  	[tilespmem:s8], [sflag:$0x3] =	stream.linear.gather [hbm4b:s31+s2], $0x4000, $0x38;
	[tilespmem:$0x10000] =	vst v63  }
0x1a9: {  	_ =	swait.ge [sflag:s11], $0x4000  }
0x1aa: {  	[sflag:s11] =	ssyncset.done $0x0  }
0x1ab: {  	[sflag:s11] =	ssyncadd.s32 $0xFFFFC000  }
0x1ac: {  	_ =	swait.ge [sflag:s6], $0x4000  }
0x1ad: {  	[sflag:s6] =	ssyncset.done $0x0  }
0x1ae: {  	s1 =	rddreg [dreg:$0x12];
	[sflag:s6] =	ssyncadd.s32 $0xFFFFC000  }
0x1af: {  	[hbm4b:s1+s2] =	stream.linear.scatter [tilespmem:s4], [sflag:$0x6], $0x4000, $0x38;
	[tilespmem:$0x10000] =	vst v63  }
0x1b0: {  	s31 =	rddreg [dreg:$0x13]  }
0x1b1: {  	[tilespmem:s4], [sflag:$0x4] =	stream.linear.gather [hbm4b:s31+s2], $0x4000, $0x38;
	[tilespmem:$0x10000] =	vst v63  }
0x1b2: {  	_ =	swait.ge [sflag:s14], $0x4000  }
0x1b3: {  	[sflag:s14] =	ssyncset.done $0x0  }
0x1b4: {  	[sflag:s14] =	ssyncadd.s32 $0xFFFFC000  }
0x1b5: {  	_ =	swait.ge [sflag:s7], $0x4000  }
0x1b6: {  	[sflag:s7] =	ssyncset.done $0x0  }
0x1b7: {  	s1 =	rddreg [dreg:$0x14];
	[sflag:s7] =	ssyncadd.s32 $0xFFFFC000  }
0x1b8: {  	[hbm4b:s1+s2] =	stream.linear.scatter [tilespmem:s8], [sflag:$0x5], $0x4000, $0x38;
	[tilespmem:$0x10000] =	vst v63  }
0x1b9: {  	_ = 	snop  }
0x1ba: {  	[tilespmem:s8], [sflag:$0x3] =	stream.linear.gather [hbm4b:s28+s2], $0x4000, $0x38;
	[tilespmem:$0x10000] =	vst v63  }
0x1bb: {  	_ =	swait.ge [sflag:s11], $0x4000  }
0x1bc: {  	[sflag:s11] =	ssyncset.done $0x0  }
0x1bd: {  	[sflag:s11] =	ssyncadd.s32 $0xFFFFC000  }
0x1be: {  	_ =	swait.ge [sflag:s6], $0x4000  }
0x1bf: {  	[sflag:s6] =	ssyncset.done $0x0  }
0x1c0: {  	[sflag:s6] =	ssyncadd.s32 $0xFFFFC000  }
0x1c1: {  	[hbm4b:s24+s2] =	stream.linear.scatter [tilespmem:s4], [sflag:$0x6], $0x4000, $0x38;
	[tilespmem:$0x10000] =	vst v63  }
0x1c2: {  	_ = 	snop  }
0x1c3: {  	[tilespmem:s4], [sflag:$0x4] =	stream.linear.gather [hbm4b:s25+s2], $0x4000, $0x38;
	[tilespmem:$0x10000] =	vst v63  }
0x1c4: {  	_ = 	snop  }
0x1c5: {  	[tilespmem:s29], [sflag:$0x2] =	stream.linear.gather [hbm4b:s26+s2], $0x4000, $0x38;
	[tilespmem:$0x10000] =	vst v63  }
0x1c6: {  	_ =	swait.ge [sflag:s30], $0x4000  }
0x1c7: {  	[sflag:s30] =	ssyncset.done $0x0  }
0x1c8: {  	[sflag:s30] =	ssyncadd.s32 $0xFFFFC000  }
0x1c9: {  	_ =	swait.ge [sflag:s14], $0x4000  }
0x1ca: {  	[sflag:s14] =	ssyncset.done $0x0  }
0x1cb: {  	[sflag:s14] =	ssyncadd.s32 $0xFFFFC000  }
0x1cc: {  	_ =	swait.ge [sflag:s7], $0x4000  }
0x1cd: {  	[sflag:s7] =	ssyncset.done $0x0  }
0x1ce: {  	[sflag:s7] =	ssyncadd.s32 $0xFFFFC000  }
0x1cf: {  	[hbm4b:s21+s2] =	stream.linear.scatter [tilespmem:s8], [sflag:$0x5], $0x4000, $0x38;
	[tilespmem:$0x10000] =	vst v63  }
0x1d0: {  	_ = 	snop  }
0x1d1: {  	[tilespmem:s8], [sflag:$0x3] =	stream.linear.gather [hbm4b:s22+s2], $0x4000, $0x38;
	[tilespmem:$0x10000] =	vst v63  }
0x1d2: {  	_ =	swait.ge [sflag:s11], $0x4000  }
0x1d3: {  	[sflag:s11] =	ssyncset.done $0x0  }
0x1d4: {  	[sflag:s11] =	ssyncadd.s32 $0xFFFFC000  }
0x1d5: {  	_ =	swait.ge [sflag:s6], $0x4000  }
0x1d6: {  	[sflag:s6] =	ssyncset.done $0x0  }
0x1d7: {  	[sflag:s6] =	ssyncadd.s32 $0xFFFFC000  }
0x1d8: {  	[hbm4b:s19+s2] =	stream.linear.scatter [tilespmem:s4], [sflag:$0x6], $0x4000, $0x38;
	[tilespmem:$0x10000] =	vst v63  }
0x1d9: {  	_ = 	snop  }
0x1da: {  	[tilespmem:s4], [sflag:$0x4] =	stream.linear.gather [hbm4b:s20+s2], $0x4000, $0x38;
	[tilespmem:$0x10000] =	vst v63  }
0x1db: {  	_ =	swait.ge [sflag:s14], $0x4000  }
0x1dc: {  	[sflag:s14] =	ssyncset.done $0x0  }
0x1dd: {  	[sflag:s14] =	ssyncadd.s32 $0xFFFFC000  }
0x1de: {  	_ =	swait.ge [sflag:s7], $0x4000  }
0x1df: {  	[sflag:s7] =	ssyncset.done $0x0  }
0x1e0: {  	[sflag:s7] =	ssyncadd.s32 $0xFFFFC000  }
0x1e1: {  	[hbm4b:s17+s2] =	stream.linear.scatter [tilespmem:s8], [sflag:$0x5], $0x4000, $0x38;
	[tilespmem:$0x10000] =	vst v63  }
0x1e2: {  	_ = 	snop  }
0x1e3: {  	[tilespmem:s8], [sflag:$0x3] =	stream.linear.gather [hbm4b:s18+s2], $0x4000, $0x38;
	[tilespmem:$0x10000] =	vst v63  }
0x1e4: {  	_ =	swait.ge [sflag:s11], $0x4000  }
0x1e5: {  	[sflag:s11] =	ssyncset.done $0x0  }
0x1e6: {  	[sflag:s11] =	ssyncadd.s32 $0xFFFFC000  }
0x1e7: {  	_ =	swait.ge [sflag:s6], $0x4000  }
0x1e8: {  	[sflag:s6] =	ssyncset.done $0x0  }
0x1e9: {  	[sflag:s6] =	ssyncadd.s32 $0xFFFFC000  }
0x1ea: {  	[hbm4b:s15+s2] =	stream.linear.scatter [tilespmem:s4], [sflag:$0x6], $0x4000, $0x38;
	[tilespmem:$0x10000] =	vst v63  }
0x1eb: {  	_ = 	snop  }
0x1ec: {  	[tilespmem:s4], [sflag:$0x4] =	stream.linear.gather [hbm4b:s16+s2], $0x4000, $0x38;
	[tilespmem:$0x10000] =	vst v63  }
0x1ed: {  	_ =	swait.ge [sflag:s23], $0x4000  }
0x1ee: {  	[sflag:s23] =	ssyncset.done $0x0  }
0x1ef: {  	[sflag:s23] =	ssyncadd.s32 $0xFFFFC000  }
0x1f0: {  	_ =	swait.ge [sflag:s14], $0x4000  }
0x1f1: {  	[sflag:s14] =	ssyncset.done $0x0  }
0x1f2: {  	[sflag:s14] =	ssyncadd.s32 $0xFFFFC000  }
0x1f3: {  	_ =	swait.ge [sflag:s7], $0x4000  }
0x1f4: {  	[sflag:s7] =	ssyncset.done $0x0  }
0x1f5: {  	[sflag:s7] =	ssyncadd.s32 $0xFFFFC000  }
0x1f6: {  	[hbm4b:s12+s2] =	stream.linear.scatter [tilespmem:s8], [sflag:$0x5], $0x4000, $0x38;
	[tilespmem:$0x10000] =	vst v63  }
0x1f7: {  	_ = 	snop  }
0x1f8: {  	[tilespmem:s8], [sflag:$0x3] =	stream.linear.gather [hbm4b:s13+s2], $0x4000, $0x38;
	[tilespmem:$0x10000] =	vst v63  }
0x1f9: {  	_ =	swait.ge [sflag:s11], $0x4000  }
0x1fa: {  	[sflag:s11] =	ssyncset.done $0x0  }
0x1fb: {  	[sflag:s11] =	ssyncadd.s32 $0xFFFFC000  }
0x1fc: {  	_ =	swait.ge [sflag:s6], $0x4000  }
0x1fd: {  	[sflag:s6] =	ssyncset.done $0x0  }
0x1fe: {  	[sflag:s6] =	ssyncadd.s32 $0xFFFFC000  }
0x1ff: {  	[hbm4b:s9+s2] =	stream.linear.scatter [tilespmem:s4], [sflag:$0x6], $0x4000, $0x38;
	[tilespmem:$0x10000] =	vst v63  }
0x200: {  	_ = 	snop  }
0x201: {  	[tilespmem:s4], [sflag:$0x4] =	stream.linear.gather [hbm4b:s10+s2], $0x4000, $0x38;
	[tilespmem:$0x10000] =	vst v63  }
0x202: {  	_ =	swait.ge [sflag:s14], $0x4000  }
0x203: {  	[sflag:s14] =	ssyncset.done $0x0  }
0x204: {  	[sflag:s14] =	ssyncadd.s32 $0xFFFFC000  }
0x205: {  	_ =	swait.ge [sflag:s7], $0x4000  }
0x206: {  	[sflag:s7] =	ssyncset.done $0x0  }
0x207: {  	[sflag:s7] =	ssyncadd.s32 $0xFFFFC000  }
0x208: {  	[hbm4b:s5+s2] =	stream.linear.scatter [tilespmem:s8], [sflag:$0x5], $0x4000, $0x38;
	[tilespmem:$0x10000] =	vst v63  }
0x209: {  	_ =	swait.ge [sflag:s11], $0x4000  }
0x20a: {  	[sflag:s11] =	ssyncset.done $0x0  }
0x20b: {  	[sflag:s11] =	ssyncadd.s32 $0xFFFFC000  }
0x20c: {  	_ =	swait.ge [sflag:s6], $0x4000  }
0x20d: {  	[sflag:s6] =	ssyncset.done $0x0  }
0x20e: {  	[sflag:s6] =	ssyncadd.s32 $0xFFFFC000  }
0x20f: {  	[hbm4b:s3+s2] =	stream.linear.scatter [tilespmem:s4], [sflag:$0x6], $0x4000, $0x38;
	[tilespmem:$0x10000] =	vst v63  }
0x210: {  	_ =	swait.ge [sflag:s7], $0x4000  }
0x211: {  	[sflag:s7] =	ssyncset.done $0x0  }
0x212: {  	[sflag:s7] =	ssyncadd.s32 $0xFFFFC000  }
0x213: {  	_ =	swait.ge [sflag:s6], $0x4000  }
0x214: {  	[sflag:s6] =	ssyncset.done $0x0  }
0x215: {  	[sflag:s6] =	ssyncadd.s32 $0xFFFFC000  }
0x216: {  	_ =	sfence.sel $0x180000  }
0x217: {  	[bflag:$0x0] =	sbarrier.arrive $0xFFFF  }
0x218: {  	_ =	strace $0x90000047  }
0x219: {  	s31 =	stileid.u32;
	[bflag:$0x2] =	sbarrier.arrive $0xFFFF  }
0x21a: {  	p0 =	sne.s32 s31, $0x0;
	s0 =	rddreg [dreg:$0x3]  }
0x21b: {  	s0 =	sadd.s32 @!p0 $0x100000, s0  }
0x21c: {  	[sflag:s0] =	ssyncadd.tile.s32 @!p0 $0x1;
	_ =	shalt  }
.Lfunc_end2:
_tile_overlayer_lowered:
.L_overlay_start_2:
0x21d: {  	(tag) =	ssettag $0x2  }
0x21e: {  	s0 =	rddreg [dreg:$0x0];
	s2 =	stileid.u32  }
0x21f: {  	s1 =	rddreg [dreg:$0x1];
	p0 =	sne.s32 s2, $0x0  }
0x220: {  	s3 =	rddreg [dreg:$0x2];
	[bflag:$0x3] =	sbarrier.arrive $0xFFFF;
	s2 =	simm.s32 @!p0 $0x1C07  }
0x221: {  	[timem:s3], [sflag:s2] =	dma.local @!p0 [hbm:s0], s1  }
0x222: {  	s0 =	simm.s32 @!p0 $0x7  }
0x223: {  	_ =	swait.ge @!p0 [sflag:s0], s1  }
0x224: {  	s1 =	ssub.s32 @!p0 $0x0, s1;
	[sflag:s0] =	ssyncset.done @!p0 $0x0  }
0x225: {  	[sflag:s0] =	ssyncadd.s32 @!p0 s1  }
0x226: {  	[bflag:$0x3] =	sbarrier.arrive $0xFFFF  }
0x227: {  	_ =	shalt  }

</sc_bundles>
